<compile_context>
chip_gen: v7x
topology: tpu7x:2x2x1
jax: 0.10.2.dev20260603
libtpu: 0.0.44.dev20260713+nightly
codegen_flags: <defaults>
</compile_context>

<pallas_src>
import functools

import jax
import jax.numpy as jnp
from jax import lax
from jax.experimental import pallas as pl
from jax.experimental.pallas import tpu as pltpu
from jax.experimental.pallas import tpu_sc as plsc

N_ROWS = 1000000
B = 16384
D = 64
NW = 32
ROWS_PER_W = B // NW
CHUNK = 128
NCHUNK = ROWS_PER_W // CHUNK

H1 = 96
H2 = 64
BK = 2048


def _gather_body(uidx_hbm, midx_hbm, utab_hbm, mtab_hbm, emb_hbm,
                 uidx_v, midx_v, urows_v, mrows_v, gsem, osem):
    wid = lax.axis_index("s") * 2 + lax.axis_index("c")
    base_chunk = wid * NCHUNK
    base_row = wid * ROWS_PER_W
    pltpu.sync_copy(uidx_hbm.at[pl.ds(base_chunk, NCHUNK), :], uidx_v)
    pltpu.sync_copy(midx_hbm.at[pl.ds(base_chunk, NCHUNK), :], midx_v)

    def fire(c):
        s = c % 2
        return (
            pltpu.async_copy(utab_hbm.at[uidx_v.at[c]], urows_v.at[s], gsem),
            pltpu.async_copy(mtab_hbm.at[midx_v.at[c]], mrows_v.at[s], gsem),
        )

    def drain(c, g):
        s = c % 2
        for cp in g:
            cp.wait()
        row0 = base_row + c * CHUNK
        return (
            pltpu.async_copy(
                urows_v.at[s], emb_hbm.at[pl.ds(row0, CHUNK), pl.ds(0, D)],
                osem),
            pltpu.async_copy(
                mrows_v.at[s], emb_hbm.at[pl.ds(row0, CHUNK), pl.ds(D, D)],
                osem),
        )

    outs = []
    g = fire(0)
    for c in range(NCHUNK):
        if c >= 1:
            for cp in outs[c - 1]:
                cp.wait()
        g_next = fire(c + 1) if c + 1 < NCHUNK else None
        outs.append(drain(c, g))
        g = g_next
    for cp in outs[-1]:
        cp.wait()


@functools.lru_cache(maxsize=None)
def _build_gather_call():
    return pl.kernel(
        _gather_body,
        mesh=plsc.VectorSubcoreMesh(core_axis_name="c", subcore_axis_name="s"),
        out_type=jax.ShapeDtypeStruct((B, 2 * D), jnp.float32),
        scratch_types=[
            pltpu.VMEM((NCHUNK, CHUNK), jnp.int32),
            pltpu.VMEM((NCHUNK, CHUNK), jnp.int32),
            pltpu.VMEM((2, CHUNK, D), jnp.float32),
            pltpu.VMEM((2, CHUNK, D), jnp.float32),
            pltpu.SemaphoreType.DMA,
            pltpu.SemaphoreType.DMA,
        ],
        compiler_params=pltpu.CompilerParams(use_tc_tiling_on_sc=False),
    )


def _mlp_body(emb_ref, w1_ref, b1_ref, w2_ref, b2_ref, w3_ref, b3_ref,
              out_ref):
    e = emb_ref[...]
    h = jnp.dot(e, w1_ref[...], preferred_element_type=jnp.float32,
                precision=lax.Precision.HIGHEST)
    h = jnp.maximum(h + b1_ref[...], 0.0)
    h = jnp.dot(h, w2_ref[...], preferred_element_type=jnp.float32,
                precision=lax.Precision.HIGHEST) + b2_ref[...]
    h = jnp.maximum(h, 0.0)
    z = jnp.sum(h * w3_ref[...], axis=1) + b3_ref[0, 0]
    out_ref[...] = jax.nn.sigmoid(z)


_mlp_call = pl.pallas_call(
    _mlp_body,
    grid=(B // BK,),
    in_specs=[
        pl.BlockSpec((BK, 2 * D), lambda i: (i, 0)),
        pl.BlockSpec((2 * D, H1), lambda i: (0, 0)),
        pl.BlockSpec((1, H1), lambda i: (0, 0)),
        pl.BlockSpec((H1, H2), lambda i: (0, 0)),
        pl.BlockSpec((1, H2), lambda i: (0, 0)),
        pl.BlockSpec((1, H2), lambda i: (0, 0)),
        pl.BlockSpec((1, 1), lambda i: (0, 0)),
    ],
    out_specs=pl.BlockSpec((BK,), lambda i: (i,)),
    out_shape=jax.ShapeDtypeStruct((B,), jnp.float32),
)


def kernel(x, user_table, movie_table, W1, b1, W2, b2, W3, b3):
    idx2 = x.astype(jnp.int32) * 2
    uidx = idx2[:, 0].reshape(B // CHUNK, CHUNK)
    midx = idx2[:, 1].reshape(B // CHUNK, CHUNK)
    emb = _build_gather_call()(uidx, midx, user_table, movie_table)
    return _mlp_call(
        emb,
        W1, b1.reshape(1, H1),
        W2, b2.reshape(1, H2),
        W3[:, 0].reshape(1, H2), b3.reshape(1, 1),
    )

# --- scband reference (transcript-rebuilt; emitter-appended) ---
"""Pipeline reference for scband-neural-cf-45878840655978 (READ-ONLY COPY).

The authoritative reference and input builder live on the scoring server;
editing this copy changes nothing except your own understanding.
"""

import jax, jax.numpy as jnp
import numpy as np

USER_IDS = 1000000
MOVIE_IDS = 1000000
EMB = 64
BATCH = 16384


def setup_inputs(seed: int = 0) -> dict:
    key = jax.random.key(seed)
    ks = jax.random.split(key, 10)
    x = jax.random.randint(ks[0], (BATCH, 2), 0, min(USER_IDS, MOVIE_IDS), dtype=jnp.int64)
    user_table = jax.random.normal(ks[1], (USER_IDS, EMB), dtype=jnp.float32) * 0.02
    movie_table = jax.random.normal(ks[2], (MOVIE_IDS, EMB), dtype=jnp.float32) * 0.02
    W1 = jax.random.normal(ks[3], (128, 96), dtype=jnp.float32) * (1.0 / np.sqrt(128))
    b1 = jnp.zeros((96,), dtype=jnp.float32)
    W2 = jax.random.normal(ks[4], (96, 64), dtype=jnp.float32) * (1.0 / np.sqrt(96))
    b2 = jnp.zeros((64,), dtype=jnp.float32)
    W3 = jax.random.normal(ks[5], (64, 1), dtype=jnp.float32) * (1.0 / np.sqrt(64))
    b3 = jnp.zeros((1,), dtype=jnp.float32)
    return {"x": x, "user_table": user_table, "movie_table": movie_table,
            "W1": W1, "b1": b1, "W2": W2, "b2": b2, "W3": W3, "b3": b3}


def reference(x, user_table, movie_table, W1, b1, W2, b2, W3, b3):
    left_idx = x[:, 0]
    right_idx = x[:, 1]
    left = jnp.take(user_table, left_idx, axis=0)
    right = jnp.take(movie_table, right_idx, axis=0)
    h = jnp.concatenate([left, right], axis=1)
    h = jax.nn.relu(h @ W1 + b1)
    h = jax.nn.relu(h @ W2 + b2)
    h = jax.nn.sigmoid(h @ W3 + b3)
    return jnp.squeeze(h)

if __name__ == "__main__":
    import jax
    _d = setup_inputs()
    print(jax.jit(kernel)(*tuple(_d.values())))

</pallas_src>

<mosaic_0001>
#map = affine_map<(d0, d1) -> (0, 0)>
module attributes {stable_mosaic.version = 14 : i64} {
  func.func @_gather_body(%arg0: i32, %arg1: i32, %arg2: memref<128x128xi32, #tpu.memory_space<hbm>>, %arg3: memref<128x128xi32, #tpu.memory_space<hbm>>, %arg4: memref<1000000x64xf32, #tpu.memory_space<hbm>>, %arg5: memref<1000000x64xf32, #tpu.memory_space<hbm>>, %arg6: memref<16384x128xf32, #tpu.memory_space<hbm>>, %arg7: memref<4x128xi32, #tpu.memory_space<vmem>>, %arg8: memref<4x128xi32, #tpu.memory_space<vmem>>, %arg9: memref<2x128x64xf32, #tpu.memory_space<vmem>>, %arg10: memref<2x128x64xf32, #tpu.memory_space<vmem>>, %arg11: memref<!tpu.dma_semaphore, #tpu.memory_space<semaphore_mem>>, %arg12: memref<!tpu.dma_semaphore, #tpu.memory_space<semaphore_mem>>) attributes {dimension_semantics = [#tpu.dimension_semantics<core_parallel>, #tpu.dimension_semantics<subcore_parallel>], iteration_bounds = array<i64: 2, 16>, scalar_prefetch = 0 : i64, scratch_operands = 6 : i64, tpu.core_type = #tpu.core_type<sc_vector_subcore>, window_params = [{transform_indices = #map}, {transform_indices = #map}, {transform_indices = #map}, {transform_indices = #map}, {transform_indices = #map}]} {
    %mul3A = arith.constant 2 : i32
    %mul3A_0 = arith.muli %arg1, %mul3A : i32
    %add3A = arith.addi %mul3A_0, %arg0 : i32
    %mul3A_1 = arith.constant 4 : i32
    %mul3A_2 = arith.muli %add3A, %mul3A_1 : i32
    %mul3A_3 = arith.constant 512 : i32
    %mul3A_4 = arith.muli %add3A, %mul3A_3 : i32
    "tpu.region"() ({
      %run_scoped3A = tpu.sem_alloc : memref<!tpu.dma_semaphore, #tpu.memory_space<semaphore_mem>>
      %dma_start3A_411 = arith.constant 0 : i32
      %dma_start3A_412 = tpu.memref_slice %arg2[%mul3A_2, %dma_start3A_411] : memref<128x128xi32, #tpu.memory_space<hbm>> -> memref<4x128xi32, #tpu.memory_space<hbm>>
      %dma_start3A_413 = arith.constant 0 : i32
      %dma_start3A_414 = tpu.memref_slice %arg2[%mul3A_2, %dma_start3A_413] : memref<128x128xi32, #tpu.memory_space<hbm>> -> memref<4x128xi32, #tpu.memory_space<hbm>>
      tpu.enqueue_dma source(%dma_start3A_414 : memref<4x128xi32, #tpu.memory_space<hbm>>) target(%arg7 : memref<4x128xi32, #tpu.memory_space<vmem>>) target_semaphore(%run_scoped3A : memref<!tpu.dma_semaphore, #tpu.memory_space<semaphore_mem>>)
      %dma_wait3A_415 = arith.constant 0 : i32
      %dma_wait3A_416 = tpu.memref_slice %arg2[%mul3A_2, %dma_wait3A_415] : memref<128x128xi32, #tpu.memory_space<hbm>> -> memref<4x128xi32, #tpu.memory_space<hbm>>
      %dma_wait3A_417 = arith.constant 0 : i32
      %dma_wait3A_418 = tpu.memref_slice %arg2[%mul3A_2, %dma_wait3A_417] : memref<128x128xi32, #tpu.memory_space<hbm>> -> memref<4x128xi32, #tpu.memory_space<hbm>>
      tpu.wait_dma2 semaphore(%run_scoped3A : memref<!tpu.dma_semaphore, #tpu.memory_space<semaphore_mem>>) src(%dma_wait3A_418 : memref<4x128xi32, #tpu.memory_space<hbm>>) dst(%arg7 : memref<4x128xi32, #tpu.memory_space<vmem>>)
      tpu.yield
    }) : () -> ()
    "tpu.region"() ({
      %run_scoped3A = tpu.sem_alloc : memref<!tpu.dma_semaphore, #tpu.memory_space<semaphore_mem>>
      %dma_start3A_411 = arith.constant 0 : i32
      %dma_start3A_412 = tpu.memref_slice %arg3[%mul3A_2, %dma_start3A_411] : memref<128x128xi32, #tpu.memory_space<hbm>> -> memref<4x128xi32, #tpu.memory_space<hbm>>
      %dma_start3A_413 = arith.constant 0 : i32
      %dma_start3A_414 = tpu.memref_slice %arg3[%mul3A_2, %dma_start3A_413] : memref<128x128xi32, #tpu.memory_space<hbm>> -> memref<4x128xi32, #tpu.memory_space<hbm>>
      tpu.enqueue_dma source(%dma_start3A_414 : memref<4x128xi32, #tpu.memory_space<hbm>>) target(%arg8 : memref<4x128xi32, #tpu.memory_space<vmem>>) target_semaphore(%run_scoped3A : memref<!tpu.dma_semaphore, #tpu.memory_space<semaphore_mem>>)
      %dma_wait3A_415 = arith.constant 0 : i32
      %dma_wait3A_416 = tpu.memref_slice %arg3[%mul3A_2, %dma_wait3A_415] : memref<128x128xi32, #tpu.memory_space<hbm>> -> memref<4x128xi32, #tpu.memory_space<hbm>>
      %dma_wait3A_417 = arith.constant 0 : i32
      %dma_wait3A_418 = tpu.memref_slice %arg3[%mul3A_2, %dma_wait3A_417] : memref<128x128xi32, #tpu.memory_space<hbm>> -> memref<4x128xi32, #tpu.memory_space<hbm>>
      tpu.wait_dma2 semaphore(%run_scoped3A : memref<!tpu.dma_semaphore, #tpu.memory_space<semaphore_mem>>) src(%dma_wait3A_418 : memref<4x128xi32, #tpu.memory_space<hbm>>) dst(%arg8 : memref<4x128xi32, #tpu.memory_space<vmem>>)
      tpu.yield
    }) : () -> ()
    %dma_start3A = arith.constant 0 : i32
    %dma_start3A_5 = arith.constant 0 : i32
    %dma_start3A_6 = arith.constant 0 : i32
    %dma_start3A_7 = arith.constant 0 : i32
    %dma_start3A_8 = tpu.memref_slice %arg9[%dma_start3A_5, %dma_start3A_6, %dma_start3A_7] : memref<2x128x64xf32, #tpu.memory_space<vmem>> -> memref<1x128x64xf32, #tpu.memory_space<vmem>>
    %dma_start3A_9 = tpu.memref_squeeze %dma_start3A_8 : memref<1x128x64xf32, #tpu.memory_space<vmem>> -> memref<128x64xf32, #tpu.memory_space<vmem>>
    %dma_start3A_10 = arith.constant 0 : i32
    %dma_start3A_11 = tpu.memref_slice %arg7[%dma_start3A, %dma_start3A_10] : memref<4x128xi32, #tpu.memory_space<vmem>> -> memref<1x128xi32, #tpu.memory_space<vmem>>
    %dma_start3A_12 = tpu.memref_squeeze %dma_start3A_11 : memref<1x128xi32, #tpu.memory_space<vmem>> -> memref<128xi32, #tpu.memory_space<vmem>>
    %dma_start3A_13 = arith.constant 0 : i32
    %dma_start3A_14 = arith.constant 0 : i32
    %dma_start3A_15 = tpu.memref_slice %arg4[%dma_start3A_13, %dma_start3A_14] : memref<1000000x64xf32, #tpu.memory_space<hbm>> -> memref<1000000x64xf32, #tpu.memory_space<hbm>>
    tpu.enqueue_indirect_dma source(%dma_start3A_15 : memref<1000000x64xf32, #tpu.memory_space<hbm>>) target(%dma_start3A_9 : memref<128x64xf32, #tpu.memory_space<vmem>>) offsets(%dma_start3A_12 : memref<128xi32, #tpu.memory_space<vmem>>) semaphore(%arg11 : memref<!tpu.dma_semaphore, #tpu.memory_space<semaphore_mem>>)
    %dma_start3A_16 = arith.constant 0 : i32
    %dma_start3A_17 = arith.constant 0 : i32
    %dma_start3A_18 = arith.constant 0 : i32
    %dma_start3A_19 = arith.constant 0 : i32
    %dma_start3A_20 = tpu.memref_slice %arg10[%dma_start3A_17, %dma_start3A_18, %dma_start3A_19] : memref<2x128x64xf32, #tpu.memory_space<vmem>> -> memref<1x128x64xf32, #tpu.memory_space<vmem>>
    %dma_start3A_21 = tpu.memref_squeeze %dma_start3A_20 : memref<1x128x64xf32, #tpu.memory_space<vmem>> -> memref<128x64xf32, #tpu.memory_space<vmem>>
    %dma_start3A_22 = arith.constant 0 : i32
    %dma_start3A_23 = tpu.memref_slice %arg8[%dma_start3A_16, %dma_start3A_22] : memref<4x128xi32, #tpu.memory_space<vmem>> -> memref<1x128xi32, #tpu.memory_space<vmem>>
    %dma_start3A_24 = tpu.memref_squeeze %dma_start3A_23 : memref<1x128xi32, #tpu.memory_space<vmem>> -> memref<128xi32, #tpu.memory_space<vmem>>
    %dma_start3A_25 = arith.constant 0 : i32
    %dma_start3A_26 = arith.constant 0 : i32
    %dma_start3A_27 = tpu.memref_slice %arg5[%dma_start3A_25, %dma_start3A_26] : memref<1000000x64xf32, #tpu.memory_space<hbm>> -> memref<1000000x64xf32, #tpu.memory_space<hbm>>
    tpu.enqueue_indirect_dma source(%dma_start3A_27 : memref<1000000x64xf32, #tpu.memory_space<hbm>>) target(%dma_start3A_21 : memref<128x64xf32, #tpu.memory_space<vmem>>) offsets(%dma_start3A_24 : memref<128xi32, #tpu.memory_space<vmem>>) semaphore(%arg11 : memref<!tpu.dma_semaphore, #tpu.memory_space<semaphore_mem>>)
    %dma_start3A_28 = arith.constant 1 : i32
    %dma_start3A_29 = arith.constant 1 : i32
    %dma_start3A_30 = arith.constant 0 : i32
    %dma_start3A_31 = arith.constant 0 : i32
    %dma_start3A_32 = tpu.memref_slice %arg9[%dma_start3A_29, %dma_start3A_30, %dma_start3A_31] : memref<2x128x64xf32, #tpu.memory_space<vmem>> -> memref<1x128x64xf32, #tpu.memory_space<vmem>>
    %dma_start3A_33 = tpu.memref_squeeze %dma_start3A_32 : memref<1x128x64xf32, #tpu.memory_space<vmem>> -> memref<128x64xf32, #tpu.memory_space<vmem>>
    %dma_start3A_34 = arith.constant 0 : i32
    %dma_start3A_35 = tpu.memref_slice %arg7[%dma_start3A_28, %dma_start3A_34] : memref<4x128xi32, #tpu.memory_space<vmem>> -> memref<1x128xi32, #tpu.memory_space<vmem>>
    %dma_start3A_36 = tpu.memref_squeeze %dma_start3A_35 : memref<1x128xi32, #tpu.memory_space<vmem>> -> memref<128xi32, #tpu.memory_space<vmem>>
    %dma_start3A_37 = arith.constant 0 : i32
    %dma_start3A_38 = arith.constant 0 : i32
    %dma_start3A_39 = tpu.memref_slice %arg4[%dma_start3A_37, %dma_start3A_38] : memref<1000000x64xf32, #tpu.memory_space<hbm>> -> memref<1000000x64xf32, #tpu.memory_space<hbm>>
    tpu.enqueue_indirect_dma source(%dma_start3A_39 : memref<1000000x64xf32, #tpu.memory_space<hbm>>) target(%dma_start3A_33 : memref<128x64xf32, #tpu.memory_space<vmem>>) offsets(%dma_start3A_36 : memref<128xi32, #tpu.memory_space<vmem>>) semaphore(%arg11 : memref<!tpu.dma_semaphore, #tpu.memory_space<semaphore_mem>>)
    %dma_start3A_40 = arith.constant 1 : i32
    %dma_start3A_41 = arith.constant 1 : i32
    %dma_start3A_42 = arith.constant 0 : i32
    %dma_start3A_43 = arith.constant 0 : i32
    %dma_start3A_44 = tpu.memref_slice %arg10[%dma_start3A_41, %dma_start3A_42, %dma_start3A_43] : memref<2x128x64xf32, #tpu.memory_space<vmem>> -> memref<1x128x64xf32, #tpu.memory_space<vmem>>
    %dma_start3A_45 = tpu.memref_squeeze %dma_start3A_44 : memref<1x128x64xf32, #tpu.memory_space<vmem>> -> memref<128x64xf32, #tpu.memory_space<vmem>>
    %dma_start3A_46 = arith.constant 0 : i32
    %dma_start3A_47 = tpu.memref_slice %arg8[%dma_start3A_40, %dma_start3A_46] : memref<4x128xi32, #tpu.memory_space<vmem>> -> memref<1x128xi32, #tpu.memory_space<vmem>>
    %dma_start3A_48 = tpu.memref_squeeze %dma_start3A_47 : memref<1x128xi32, #tpu.memory_space<vmem>> -> memref<128xi32, #tpu.memory_space<vmem>>
    %dma_start3A_49 = arith.constant 0 : i32
    %dma_start3A_50 = arith.constant 0 : i32
    %dma_start3A_51 = tpu.memref_slice %arg5[%dma_start3A_49, %dma_start3A_50] : memref<1000000x64xf32, #tpu.memory_space<hbm>> -> memref<1000000x64xf32, #tpu.memory_space<hbm>>
    tpu.enqueue_indirect_dma source(%dma_start3A_51 : memref<1000000x64xf32, #tpu.memory_space<hbm>>) target(%dma_start3A_45 : memref<128x64xf32, #tpu.memory_space<vmem>>) offsets(%dma_start3A_48 : memref<128xi32, #tpu.memory_space<vmem>>) semaphore(%arg11 : memref<!tpu.dma_semaphore, #tpu.memory_space<semaphore_mem>>)
    %dma_wait3A = arith.constant 0 : i32
    %dma_wait3A_52 = arith.constant 0 : i32
    %dma_wait3A_53 = arith.constant 0 : i32
    %dma_wait3A_54 = arith.constant 0 : i32
    %dma_wait3A_55 = tpu.memref_slice %arg9[%dma_wait3A_52, %dma_wait3A_53, %dma_wait3A_54] : memref<2x128x64xf32, #tpu.memory_space<vmem>> -> memref<1x128x64xf32, #tpu.memory_space<vmem>>
    %dma_wait3A_56 = tpu.memref_squeeze %dma_wait3A_55 : memref<1x128x64xf32, #tpu.memory_space<vmem>> -> memref<128x64xf32, #tpu.memory_space<vmem>>
    %dma_wait3A_57 = arith.constant 0 : i32
    %dma_wait3A_58 = tpu.memref_slice %arg7[%dma_wait3A, %dma_wait3A_57] : memref<4x128xi32, #tpu.memory_space<vmem>> -> memref<1x128xi32, #tpu.memory_space<vmem>>
    %dma_wait3A_59 = tpu.memref_squeeze %dma_wait3A_58 : memref<1x128xi32, #tpu.memory_space<vmem>> -> memref<128xi32, #tpu.memory_space<vmem>>
    %dma_wait3A_60 = arith.constant 0 : i32
    %dma_wait3A_61 = arith.constant 0 : i32
    %dma_wait3A_62 = tpu.memref_slice %arg4[%dma_wait3A_60, %dma_wait3A_61] : memref<1000000x64xf32, #tpu.memory_space<hbm>> -> memref<1000000x64xf32, #tpu.memory_space<hbm>>
    tpu.wait_indirect_dma semaphore(%arg11 : memref<!tpu.dma_semaphore, #tpu.memory_space<semaphore_mem>>) src(%dma_wait3A_62 : memref<1000000x64xf32, #tpu.memory_space<hbm>>) dst(%dma_wait3A_56 : memref<128x64xf32, #tpu.memory_space<vmem>>)
    %dma_wait3A_63 = arith.constant 0 : i32
    %dma_wait3A_64 = arith.constant 0 : i32
    %dma_wait3A_65 = arith.constant 0 : i32
    %dma_wait3A_66 = arith.constant 0 : i32
    %dma_wait3A_67 = tpu.memref_slice %arg10[%dma_wait3A_64, %dma_wait3A_65, %dma_wait3A_66] : memref<2x128x64xf32, #tpu.memory_space<vmem>> -> memref<1x128x64xf32, #tpu.memory_space<vmem>>
    %dma_wait3A_68 = tpu.memref_squeeze %dma_wait3A_67 : memref<1x128x64xf32, #tpu.memory_space<vmem>> -> memref<128x64xf32, #tpu.memory_space<vmem>>
    %dma_wait3A_69 = arith.constant 0 : i32
    %dma_wait3A_70 = tpu.memref_slice %arg8[%dma_wait3A_63, %dma_wait3A_69] : memref<4x128xi32, #tpu.memory_space<vmem>> -> memref<1x128xi32, #tpu.memory_space<vmem>>
    %dma_wait3A_71 = tpu.memref_squeeze %dma_wait3A_70 : memref<1x128xi32, #tpu.memory_space<vmem>> -> memref<128xi32, #tpu.memory_space<vmem>>
    %dma_wait3A_72 = arith.constant 0 : i32
    %dma_wait3A_73 = arith.constant 0 : i32
    %dma_wait3A_74 = tpu.memref_slice %arg5[%dma_wait3A_72, %dma_wait3A_73] : memref<1000000x64xf32, #tpu.memory_space<hbm>> -> memref<1000000x64xf32, #tpu.memory_space<hbm>>
    tpu.wait_indirect_dma semaphore(%arg11 : memref<!tpu.dma_semaphore, #tpu.memory_space<semaphore_mem>>) src(%dma_wait3A_74 : memref<1000000x64xf32, #tpu.memory_space<hbm>>) dst(%dma_wait3A_68 : memref<128x64xf32, #tpu.memory_space<vmem>>)
    %add3A_75 = arith.constant 0 : i32
    %add3A_76 = arith.addi %mul3A_4, %add3A_75 : i32
    %dma_start3A_77 = arith.constant 0 : i32
    %dma_start3A_78 = arith.constant 0 : i32
    %dma_start3A_79 = arith.constant 0 : i32
    %dma_start3A_80 = tpu.memref_slice %arg9[%dma_start3A_77, %dma_start3A_78, %dma_start3A_79] : memref<2x128x64xf32, #tpu.memory_space<vmem>> -> memref<1x128x64xf32, #tpu.memory_space<vmem>>
    %dma_start3A_81 = tpu.memref_squeeze %dma_start3A_80 : memref<1x128x64xf32, #tpu.memory_space<vmem>> -> memref<128x64xf32, #tpu.memory_space<vmem>>
    %dma_start3A_82 = arith.constant 0 : i32
    %dma_start3A_83 = tpu.memref_slice %arg6[%add3A_76, %dma_start3A_82] : memref<16384x128xf32, #tpu.memory_space<hbm>> -> memref<128x64xf32, #tpu.memory_space<hbm>>
    %dma_start3A_84 = arith.constant 0 : i32
    %dma_start3A_85 = tpu.memref_slice %arg6[%add3A_76, %dma_start3A_84] : memref<16384x128xf32, #tpu.memory_space<hbm>> -> memref<128x64xf32, #tpu.memory_space<hbm>>
    %dma_start3A_86 = arith.constant 0 : i32
    %dma_start3A_87 = arith.constant 0 : i32
    %dma_start3A_88 = tpu.memref_slice %arg9[%dma_start3A_77, %dma_start3A_86, %dma_start3A_87] : memref<2x128x64xf32, #tpu.memory_space<vmem>> -> memref<1x128x64xf32, #tpu.memory_space<vmem>>
    %dma_start3A_89 = tpu.memref_squeeze %dma_start3A_88 : memref<1x128x64xf32, #tpu.memory_space<vmem>> -> memref<128x64xf32, #tpu.memory_space<vmem>>
    tpu.enqueue_dma source(%dma_start3A_89 : memref<128x64xf32, #tpu.memory_space<vmem>>) target(%dma_start3A_85 : memref<128x64xf32, #tpu.memory_space<hbm>>) target_semaphore(%arg12 : memref<!tpu.dma_semaphore, #tpu.memory_space<semaphore_mem>>)
    %dma_start3A_90 = arith.constant 0 : i32
    %dma_start3A_91 = arith.constant 0 : i32
    %dma_start3A_92 = arith.constant 0 : i32
    %dma_start3A_93 = tpu.memref_slice %arg10[%dma_start3A_90, %dma_start3A_91, %dma_start3A_92] : memref<2x128x64xf32, #tpu.memory_space<vmem>> -> memref<1x128x64xf32, #tpu.memory_space<vmem>>
    %dma_start3A_94 = tpu.memref_squeeze %dma_start3A_93 : memref<1x128x64xf32, #tpu.memory_space<vmem>> -> memref<128x64xf32, #tpu.memory_space<vmem>>
    %dma_start3A_95 = arith.constant 64 : i32
    %dma_start3A_96 = tpu.memref_slice %arg6[%add3A_76, %dma_start3A_95] : memref<16384x128xf32, #tpu.memory_space<hbm>> -> memref<128x64xf32, #tpu.memory_space<hbm>>
    %dma_start3A_97 = arith.constant 64 : i32
    %dma_start3A_98 = tpu.memref_slice %arg6[%add3A_76, %dma_start3A_97] : memref<16384x128xf32, #tpu.memory_space<hbm>> -> memref<128x64xf32, #tpu.memory_space<hbm>>
    %dma_start3A_99 = arith.constant 0 : i32
    %dma_start3A_100 = arith.constant 0 : i32
    %dma_start3A_101 = tpu.memref_slice %arg10[%dma_start3A_90, %dma_start3A_99, %dma_start3A_100] : memref<2x128x64xf32, #tpu.memory_space<vmem>> -> memref<1x128x64xf32, #tpu.memory_space<vmem>>
    %dma_start3A_102 = tpu.memref_squeeze %dma_start3A_101 : memref<1x128x64xf32, #tpu.memory_space<vmem>> -> memref<128x64xf32, #tpu.memory_space<vmem>>
    tpu.enqueue_dma source(%dma_start3A_102 : memref<128x64xf32, #tpu.memory_space<vmem>>) target(%dma_start3A_98 : memref<128x64xf32, #tpu.memory_space<hbm>>) target_semaphore(%arg12 : memref<!tpu.dma_semaphore, #tpu.memory_space<semaphore_mem>>)
    %dma_wait3A_103 = arith.constant 0 : i32
    %dma_wait3A_104 = arith.constant 0 : i32
    %dma_wait3A_105 = arith.constant 0 : i32
    %dma_wait3A_106 = tpu.memref_slice %arg9[%dma_wait3A_103, %dma_wait3A_104, %dma_wait3A_105] : memref<2x128x64xf32, #tpu.memory_space<vmem>> -> memref<1x128x64xf32, #tpu.memory_space<vmem>>
    %dma_wait3A_107 = tpu.memref_squeeze %dma_wait3A_106 : memref<1x128x64xf32, #tpu.memory_space<vmem>> -> memref<128x64xf32, #tpu.memory_space<vmem>>
    %dma_wait3A_108 = arith.constant 0 : i32
    %dma_wait3A_109 = tpu.memref_slice %arg6[%add3A_76, %dma_wait3A_108] : memref<16384x128xf32, #tpu.memory_space<hbm>> -> memref<128x64xf32, #tpu.memory_space<hbm>>
    %dma_wait3A_110 = arith.constant 0 : i32
    %dma_wait3A_111 = tpu.memref_slice %arg6[%add3A_76, %dma_wait3A_110] : memref<16384x128xf32, #tpu.memory_space<hbm>> -> memref<128x64xf32, #tpu.memory_space<hbm>>
    %dma_wait3A_112 = arith.constant 0 : i32
    %dma_wait3A_113 = arith.constant 0 : i32
    %dma_wait3A_114 = tpu.memref_slice %arg9[%dma_wait3A_103, %dma_wait3A_112, %dma_wait3A_113] : memref<2x128x64xf32, #tpu.memory_space<vmem>> -> memref<1x128x64xf32, #tpu.memory_space<vmem>>
    %dma_wait3A_115 = tpu.memref_squeeze %dma_wait3A_114 : memref<1x128x64xf32, #tpu.memory_space<vmem>> -> memref<128x64xf32, #tpu.memory_space<vmem>>
    tpu.wait_dma2 semaphore(%arg12 : memref<!tpu.dma_semaphore, #tpu.memory_space<semaphore_mem>>) src(%dma_wait3A_115 : memref<128x64xf32, #tpu.memory_space<vmem>>) dst(%dma_wait3A_111 : memref<128x64xf32, #tpu.memory_space<hbm>>)
    %dma_wait3A_116 = arith.constant 0 : i32
    %dma_wait3A_117 = arith.constant 0 : i32
    %dma_wait3A_118 = arith.constant 0 : i32
    %dma_wait3A_119 = tpu.memref_slice %arg10[%dma_wait3A_116, %dma_wait3A_117, %dma_wait3A_118] : memref<2x128x64xf32, #tpu.memory_space<vmem>> -> memref<1x128x64xf32, #tpu.memory_space<vmem>>
    %dma_wait3A_120 = tpu.memref_squeeze %dma_wait3A_119 : memref<1x128x64xf32, #tpu.memory_space<vmem>> -> memref<128x64xf32, #tpu.memory_space<vmem>>
    %dma_wait3A_121 = arith.constant 64 : i32
    %dma_wait3A_122 = tpu.memref_slice %arg6[%add3A_76, %dma_wait3A_121] : memref<16384x128xf32, #tpu.memory_space<hbm>> -> memref<128x64xf32, #tpu.memory_space<hbm>>
    %dma_wait3A_123 = arith.constant 64 : i32
    %dma_wait3A_124 = tpu.memref_slice %arg6[%add3A_76, %dma_wait3A_123] : memref<16384x128xf32, #tpu.memory_space<hbm>> -> memref<128x64xf32, #tpu.memory_space<hbm>>
    %dma_wait3A_125 = arith.constant 0 : i32
    %dma_wait3A_126 = arith.constant 0 : i32
    %dma_wait3A_127 = tpu.memref_slice %arg10[%dma_wait3A_116, %dma_wait3A_125, %dma_wait3A_126] : memref<2x128x64xf32, #tpu.memory_space<vmem>> -> memref<1x128x64xf32, #tpu.memory_space<vmem>>
    %dma_wait3A_128 = tpu.memref_squeeze %dma_wait3A_127 : memref<1x128x64xf32, #tpu.memory_space<vmem>> -> memref<128x64xf32, #tpu.memory_space<vmem>>
    tpu.wait_dma2 semaphore(%arg12 : memref<!tpu.dma_semaphore, #tpu.memory_space<semaphore_mem>>) src(%dma_wait3A_128 : memref<128x64xf32, #tpu.memory_space<vmem>>) dst(%dma_wait3A_124 : memref<128x64xf32, #tpu.memory_space<hbm>>)
    %dma_start3A_129 = arith.constant 2 : i32
    %dma_start3A_130 = arith.constant 0 : i32
    %dma_start3A_131 = arith.constant 0 : i32
    %dma_start3A_132 = arith.constant 0 : i32
    %dma_start3A_133 = tpu.memref_slice %arg9[%dma_start3A_130, %dma_start3A_131, %dma_start3A_132] : memref<2x128x64xf32, #tpu.memory_space<vmem>> -> memref<1x128x64xf32, #tpu.memory_space<vmem>>
    %dma_start3A_134 = tpu.memref_squeeze %dma_start3A_133 : memref<1x128x64xf32, #tpu.memory_space<vmem>> -> memref<128x64xf32, #tpu.memory_space<vmem>>
    %dma_start3A_135 = arith.constant 0 : i32
    %dma_start3A_136 = tpu.memref_slice %arg7[%dma_start3A_129, %dma_start3A_135] : memref<4x128xi32, #tpu.memory_space<vmem>> -> memref<1x128xi32, #tpu.memory_space<vmem>>
    %dma_start3A_137 = tpu.memref_squeeze %dma_start3A_136 : memref<1x128xi32, #tpu.memory_space<vmem>> -> memref<128xi32, #tpu.memory_space<vmem>>
    %dma_start3A_138 = arith.constant 0 : i32
    %dma_start3A_139 = arith.constant 0 : i32
    %dma_start3A_140 = tpu.memref_slice %arg4[%dma_start3A_138, %dma_start3A_139] : memref<1000000x64xf32, #tpu.memory_space<hbm>> -> memref<1000000x64xf32, #tpu.memory_space<hbm>>
    tpu.enqueue_indirect_dma source(%dma_start3A_140 : memref<1000000x64xf32, #tpu.memory_space<hbm>>) target(%dma_start3A_134 : memref<128x64xf32, #tpu.memory_space<vmem>>) offsets(%dma_start3A_137 : memref<128xi32, #tpu.memory_space<vmem>>) semaphore(%arg11 : memref<!tpu.dma_semaphore, #tpu.memory_space<semaphore_mem>>)
    %dma_start3A_141 = arith.constant 2 : i32
    %dma_start3A_142 = arith.constant 0 : i32
    %dma_start3A_143 = arith.constant 0 : i32
    %dma_start3A_144 = arith.constant 0 : i32
    %dma_start3A_145 = tpu.memref_slice %arg10[%dma_start3A_142, %dma_start3A_143, %dma_start3A_144] : memref<2x128x64xf32, #tpu.memory_space<vmem>> -> memref<1x128x64xf32, #tpu.memory_space<vmem>>
    %dma_start3A_146 = tpu.memref_squeeze %dma_start3A_145 : memref<1x128x64xf32, #tpu.memory_space<vmem>> -> memref<128x64xf32, #tpu.memory_space<vmem>>
    %dma_start3A_147 = arith.constant 0 : i32
    %dma_start3A_148 = tpu.memref_slice %arg8[%dma_start3A_141, %dma_start3A_147] : memref<4x128xi32, #tpu.memory_space<vmem>> -> memref<1x128xi32, #tpu.memory_space<vmem>>
    %dma_start3A_149 = tpu.memref_squeeze %dma_start3A_148 : memref<1x128xi32, #tpu.memory_space<vmem>> -> memref<128xi32, #tpu.memory_space<vmem>>
    %dma_start3A_150 = arith.constant 0 : i32
    %dma_start3A_151 = arith.constant 0 : i32
    %dma_start3A_152 = tpu.memref_slice %arg5[%dma_start3A_150, %dma_start3A_151] : memref<1000000x64xf32, #tpu.memory_space<hbm>> -> memref<1000000x64xf32, #tpu.memory_space<hbm>>
    tpu.enqueue_indirect_dma source(%dma_start3A_152 : memref<1000000x64xf32, #tpu.memory_space<hbm>>) target(%dma_start3A_146 : memref<128x64xf32, #tpu.memory_space<vmem>>) offsets(%dma_start3A_149 : memref<128xi32, #tpu.memory_space<vmem>>) semaphore(%arg11 : memref<!tpu.dma_semaphore, #tpu.memory_space<semaphore_mem>>)
    %dma_wait3A_153 = arith.constant 1 : i32
    %dma_wait3A_154 = arith.constant 1 : i32
    %dma_wait3A_155 = arith.constant 0 : i32
    %dma_wait3A_156 = arith.constant 0 : i32
    %dma_wait3A_157 = tpu.memref_slice %arg9[%dma_wait3A_154, %dma_wait3A_155, %dma_wait3A_156] : memref<2x128x64xf32, #tpu.memory_space<vmem>> -> memref<1x128x64xf32, #tpu.memory_space<vmem>>
    %dma_wait3A_158 = tpu.memref_squeeze %dma_wait3A_157 : memref<1x128x64xf32, #tpu.memory_space<vmem>> -> memref<128x64xf32, #tpu.memory_space<vmem>>
    %dma_wait3A_159 = arith.constant 0 : i32
    %dma_wait3A_160 = tpu.memref_slice %arg7[%dma_wait3A_153, %dma_wait3A_159] : memref<4x128xi32, #tpu.memory_space<vmem>> -> memref<1x128xi32, #tpu.memory_space<vmem>>
    %dma_wait3A_161 = tpu.memref_squeeze %dma_wait3A_160 : memref<1x128xi32, #tpu.memory_space<vmem>> -> memref<128xi32, #tpu.memory_space<vmem>>
    %dma_wait3A_162 = arith.constant 0 : i32
    %dma_wait3A_163 = arith.constant 0 : i32
    %dma_wait3A_164 = tpu.memref_slice %arg4[%dma_wait3A_162, %dma_wait3A_163] : memref<1000000x64xf32, #tpu.memory_space<hbm>> -> memref<1000000x64xf32, #tpu.memory_space<hbm>>
    tpu.wait_indirect_dma semaphore(%arg11 : memref<!tpu.dma_semaphore, #tpu.memory_space<semaphore_mem>>) src(%dma_wait3A_164 : memref<1000000x64xf32, #tpu.memory_space<hbm>>) dst(%dma_wait3A_158 : memref<128x64xf32, #tpu.memory_space<vmem>>)
    %dma_wait3A_165 = arith.constant 1 : i32
    %dma_wait3A_166 = arith.constant 1 : i32
    %dma_wait3A_167 = arith.constant 0 : i32
    %dma_wait3A_168 = arith.constant 0 : i32
    %dma_wait3A_169 = tpu.memref_slice %arg10[%dma_wait3A_166, %dma_wait3A_167, %dma_wait3A_168] : memref<2x128x64xf32, #tpu.memory_space<vmem>> -> memref<1x128x64xf32, #tpu.memory_space<vmem>>
    %dma_wait3A_170 = tpu.memref_squeeze %dma_wait3A_169 : memref<1x128x64xf32, #tpu.memory_space<vmem>> -> memref<128x64xf32, #tpu.memory_space<vmem>>
    %dma_wait3A_171 = arith.constant 0 : i32
    %dma_wait3A_172 = tpu.memref_slice %arg8[%dma_wait3A_165, %dma_wait3A_171] : memref<4x128xi32, #tpu.memory_space<vmem>> -> memref<1x128xi32, #tpu.memory_space<vmem>>
    %dma_wait3A_173 = tpu.memref_squeeze %dma_wait3A_172 : memref<1x128xi32, #tpu.memory_space<vmem>> -> memref<128xi32, #tpu.memory_space<vmem>>
    %dma_wait3A_174 = arith.constant 0 : i32
    %dma_wait3A_175 = arith.constant 0 : i32
    %dma_wait3A_176 = tpu.memref_slice %arg5[%dma_wait3A_174, %dma_wait3A_175] : memref<1000000x64xf32, #tpu.memory_space<hbm>> -> memref<1000000x64xf32, #tpu.memory_space<hbm>>
    tpu.wait_indirect_dma semaphore(%arg11 : memref<!tpu.dma_semaphore, #tpu.memory_space<semaphore_mem>>) src(%dma_wait3A_176 : memref<1000000x64xf32, #tpu.memory_space<hbm>>) dst(%dma_wait3A_170 : memref<128x64xf32, #tpu.memory_space<vmem>>)
    %add3A_177 = arith.constant 128 : i32
    %add3A_178 = arith.addi %mul3A_4, %add3A_177 : i32
    %dma_start3A_179 = arith.constant 1 : i32
    %dma_start3A_180 = arith.constant 0 : i32
    %dma_start3A_181 = arith.constant 0 : i32
    %dma_start3A_182 = tpu.memref_slice %arg9[%dma_start3A_179, %dma_start3A_180, %dma_start3A_181] : memref<2x128x64xf32, #tpu.memory_space<vmem>> -> memref<1x128x64xf32, #tpu.memory_space<vmem>>
    %dma_start3A_183 = tpu.memref_squeeze %dma_start3A_182 : memref<1x128x64xf32, #tpu.memory_space<vmem>> -> memref<128x64xf32, #tpu.memory_space<vmem>>
    %dma_start3A_184 = arith.constant 0 : i32
    %dma_start3A_185 = tpu.memref_slice %arg6[%add3A_178, %dma_start3A_184] : memref<16384x128xf32, #tpu.memory_space<hbm>> -> memref<128x64xf32, #tpu.memory_space<hbm>>
    %dma_start3A_186 = arith.constant 0 : i32
    %dma_start3A_187 = tpu.memref_slice %arg6[%add3A_178, %dma_start3A_186] : memref<16384x128xf32, #tpu.memory_space<hbm>> -> memref<128x64xf32, #tpu.memory_space<hbm>>
    %dma_start3A_188 = arith.constant 0 : i32
    %dma_start3A_189 = arith.constant 0 : i32
    %dma_start3A_190 = tpu.memref_slice %arg9[%dma_start3A_179, %dma_start3A_188, %dma_start3A_189] : memref<2x128x64xf32, #tpu.memory_space<vmem>> -> memref<1x128x64xf32, #tpu.memory_space<vmem>>
    %dma_start3A_191 = tpu.memref_squeeze %dma_start3A_190 : memref<1x128x64xf32, #tpu.memory_space<vmem>> -> memref<128x64xf32, #tpu.memory_space<vmem>>
    tpu.enqueue_dma source(%dma_start3A_191 : memref<128x64xf32, #tpu.memory_space<vmem>>) target(%dma_start3A_187 : memref<128x64xf32, #tpu.memory_space<hbm>>) target_semaphore(%arg12 : memref<!tpu.dma_semaphore, #tpu.memory_space<semaphore_mem>>)
    %dma_start3A_192 = arith.constant 1 : i32
    %dma_start3A_193 = arith.constant 0 : i32
    %dma_start3A_194 = arith.constant 0 : i32
    %dma_start3A_195 = tpu.memref_slice %arg10[%dma_start3A_192, %dma_start3A_193, %dma_start3A_194] : memref<2x128x64xf32, #tpu.memory_space<vmem>> -> memref<1x128x64xf32, #tpu.memory_space<vmem>>
    %dma_start3A_196 = tpu.memref_squeeze %dma_start3A_195 : memref<1x128x64xf32, #tpu.memory_space<vmem>> -> memref<128x64xf32, #tpu.memory_space<vmem>>
    %dma_start3A_197 = arith.constant 64 : i32
    %dma_start3A_198 = tpu.memref_slice %arg6[%add3A_178, %dma_start3A_197] : memref<16384x128xf32, #tpu.memory_space<hbm>> -> memref<128x64xf32, #tpu.memory_space<hbm>>
    %dma_start3A_199 = arith.constant 64 : i32
    %dma_start3A_200 = tpu.memref_slice %arg6[%add3A_178, %dma_start3A_199] : memref<16384x128xf32, #tpu.memory_space<hbm>> -> memref<128x64xf32, #tpu.memory_space<hbm>>
    %dma_start3A_201 = arith.constant 0 : i32
    %dma_start3A_202 = arith.constant 0 : i32
    %dma_start3A_203 = tpu.memref_slice %arg10[%dma_start3A_192, %dma_start3A_201, %dma_start3A_202] : memref<2x128x64xf32, #tpu.memory_space<vmem>> -> memref<1x128x64xf32, #tpu.memory_space<vmem>>
    %dma_start3A_204 = tpu.memref_squeeze %dma_start3A_203 : memref<1x128x64xf32, #tpu.memory_space<vmem>> -> memref<128x64xf32, #tpu.memory_space<vmem>>
    tpu.enqueue_dma source(%dma_start3A_204 : memref<128x64xf32, #tpu.memory_space<vmem>>) target(%dma_start3A_200 : memref<128x64xf32, #tpu.memory_space<hbm>>) target_semaphore(%arg12 : memref<!tpu.dma_semaphore, #tpu.memory_space<semaphore_mem>>)
    %dma_wait3A_205 = arith.constant 1 : i32
    %dma_wait3A_206 = arith.constant 0 : i32
    %dma_wait3A_207 = arith.constant 0 : i32
    %dma_wait3A_208 = tpu.memref_slice %arg9[%dma_wait3A_205, %dma_wait3A_206, %dma_wait3A_207] : memref<2x128x64xf32, #tpu.memory_space<vmem>> -> memref<1x128x64xf32, #tpu.memory_space<vmem>>
    %dma_wait3A_209 = tpu.memref_squeeze %dma_wait3A_208 : memref<1x128x64xf32, #tpu.memory_space<vmem>> -> memref<128x64xf32, #tpu.memory_space<vmem>>
    %dma_wait3A_210 = arith.constant 0 : i32
    %dma_wait3A_211 = tpu.memref_slice %arg6[%add3A_178, %dma_wait3A_210] : memref<16384x128xf32, #tpu.memory_space<hbm>> -> memref<128x64xf32, #tpu.memory_space<hbm>>
    %dma_wait3A_212 = arith.constant 0 : i32
    %dma_wait3A_213 = tpu.memref_slice %arg6[%add3A_178, %dma_wait3A_212] : memref<16384x128xf32, #tpu.memory_space<hbm>> -> memref<128x64xf32, #tpu.memory_space<hbm>>
    %dma_wait3A_214 = arith.constant 0 : i32
    %dma_wait3A_215 = arith.constant 0 : i32
    %dma_wait3A_216 = tpu.memref_slice %arg9[%dma_wait3A_205, %dma_wait3A_214, %dma_wait3A_215] : memref<2x128x64xf32, #tpu.memory_space<vmem>> -> memref<1x128x64xf32, #tpu.memory_space<vmem>>
    %dma_wait3A_217 = tpu.memref_squeeze %dma_wait3A_216 : memref<1x128x64xf32, #tpu.memory_space<vmem>> -> memref<128x64xf32, #tpu.memory_space<vmem>>
    tpu.wait_dma2 semaphore(%arg12 : memref<!tpu.dma_semaphore, #tpu.memory_space<semaphore_mem>>) src(%dma_wait3A_217 : memref<128x64xf32, #tpu.memory_space<vmem>>) dst(%dma_wait3A_213 : memref<128x64xf32, #tpu.memory_space<hbm>>)
    %dma_wait3A_218 = arith.constant 1 : i32
    %dma_wait3A_219 = arith.constant 0 : i32
    %dma_wait3A_220 = arith.constant 0 : i32
    %dma_wait3A_221 = tpu.memref_slice %arg10[%dma_wait3A_218, %dma_wait3A_219, %dma_wait3A_220] : memref<2x128x64xf32, #tpu.memory_space<vmem>> -> memref<1x128x64xf32, #tpu.memory_space<vmem>>
    %dma_wait3A_222 = tpu.memref_squeeze %dma_wait3A_221 : memref<1x128x64xf32, #tpu.memory_space<vmem>> -> memref<128x64xf32, #tpu.memory_space<vmem>>
    %dma_wait3A_223 = arith.constant 64 : i32
    %dma_wait3A_224 = tpu.memref_slice %arg6[%add3A_178, %dma_wait3A_223] : memref<16384x128xf32, #tpu.memory_space<hbm>> -> memref<128x64xf32, #tpu.memory_space<hbm>>
    %dma_wait3A_225 = arith.constant 64 : i32
    %dma_wait3A_226 = tpu.memref_slice %arg6[%add3A_178, %dma_wait3A_225] : memref<16384x128xf32, #tpu.memory_space<hbm>> -> memref<128x64xf32, #tpu.memory_space<hbm>>
    %dma_wait3A_227 = arith.constant 0 : i32
    %dma_wait3A_228 = arith.constant 0 : i32
    %dma_wait3A_229 = tpu.memref_slice %arg10[%dma_wait3A_218, %dma_wait3A_227, %dma_wait3A_228] : memref<2x128x64xf32, #tpu.memory_space<vmem>> -> memref<1x128x64xf32, #tpu.memory_space<vmem>>
    %dma_wait3A_230 = tpu.memref_squeeze %dma_wait3A_229 : memref<1x128x64xf32, #tpu.memory_space<vmem>> -> memref<128x64xf32, #tpu.memory_space<vmem>>
    tpu.wait_dma2 semaphore(%arg12 : memref<!tpu.dma_semaphore, #tpu.memory_space<semaphore_mem>>) src(%dma_wait3A_230 : memref<128x64xf32, #tpu.memory_space<vmem>>) dst(%dma_wait3A_226 : memref<128x64xf32, #tpu.memory_space<hbm>>)
    %dma_start3A_231 = arith.constant 3 : i32
    %dma_start3A_232 = arith.constant 1 : i32
    %dma_start3A_233 = arith.constant 0 : i32
    %dma_start3A_234 = arith.constant 0 : i32
    %dma_start3A_235 = tpu.memref_slice %arg9[%dma_start3A_232, %dma_start3A_233, %dma_start3A_234] : memref<2x128x64xf32, #tpu.memory_space<vmem>> -> memref<1x128x64xf32, #tpu.memory_space<vmem>>
    %dma_start3A_236 = tpu.memref_squeeze %dma_start3A_235 : memref<1x128x64xf32, #tpu.memory_space<vmem>> -> memref<128x64xf32, #tpu.memory_space<vmem>>
    %dma_start3A_237 = arith.constant 0 : i32
    %dma_start3A_238 = tpu.memref_slice %arg7[%dma_start3A_231, %dma_start3A_237] : memref<4x128xi32, #tpu.memory_space<vmem>> -> memref<1x128xi32, #tpu.memory_space<vmem>>
    %dma_start3A_239 = tpu.memref_squeeze %dma_start3A_238 : memref<1x128xi32, #tpu.memory_space<vmem>> -> memref<128xi32, #tpu.memory_space<vmem>>
    %dma_start3A_240 = arith.constant 0 : i32
    %dma_start3A_241 = arith.constant 0 : i32
    %dma_start3A_242 = tpu.memref_slice %arg4[%dma_start3A_240, %dma_start3A_241] : memref<1000000x64xf32, #tpu.memory_space<hbm>> -> memref<1000000x64xf32, #tpu.memory_space<hbm>>
    tpu.enqueue_indirect_dma source(%dma_start3A_242 : memref<1000000x64xf32, #tpu.memory_space<hbm>>) target(%dma_start3A_236 : memref<128x64xf32, #tpu.memory_space<vmem>>) offsets(%dma_start3A_239 : memref<128xi32, #tpu.memory_space<vmem>>) semaphore(%arg11 : memref<!tpu.dma_semaphore, #tpu.memory_space<semaphore_mem>>)
    %dma_start3A_243 = arith.constant 3 : i32
    %dma_start3A_244 = arith.constant 1 : i32
    %dma_start3A_245 = arith.constant 0 : i32
    %dma_start3A_246 = arith.constant 0 : i32
    %dma_start3A_247 = tpu.memref_slice %arg10[%dma_start3A_244, %dma_start3A_245, %dma_start3A_246] : memref<2x128x64xf32, #tpu.memory_space<vmem>> -> memref<1x128x64xf32, #tpu.memory_space<vmem>>
    %dma_start3A_248 = tpu.memref_squeeze %dma_start3A_247 : memref<1x128x64xf32, #tpu.memory_space<vmem>> -> memref<128x64xf32, #tpu.memory_space<vmem>>
    %dma_start3A_249 = arith.constant 0 : i32
    %dma_start3A_250 = tpu.memref_slice %arg8[%dma_start3A_243, %dma_start3A_249] : memref<4x128xi32, #tpu.memory_space<vmem>> -> memref<1x128xi32, #tpu.memory_space<vmem>>
    %dma_start3A_251 = tpu.memref_squeeze %dma_start3A_250 : memref<1x128xi32, #tpu.memory_space<vmem>> -> memref<128xi32, #tpu.memory_space<vmem>>
    %dma_start3A_252 = arith.constant 0 : i32
    %dma_start3A_253 = arith.constant 0 : i32
    %dma_start3A_254 = tpu.memref_slice %arg5[%dma_start3A_252, %dma_start3A_253] : memref<1000000x64xf32, #tpu.memory_space<hbm>> -> memref<1000000x64xf32, #tpu.memory_space<hbm>>
    tpu.enqueue_indirect_dma source(%dma_start3A_254 : memref<1000000x64xf32, #tpu.memory_space<hbm>>) target(%dma_start3A_248 : memref<128x64xf32, #tpu.memory_space<vmem>>) offsets(%dma_start3A_251 : memref<128xi32, #tpu.memory_space<vmem>>) semaphore(%arg11 : memref<!tpu.dma_semaphore, #tpu.memory_space<semaphore_mem>>)
    %dma_wait3A_255 = arith.constant 2 : i32
    %dma_wait3A_256 = arith.constant 0 : i32
    %dma_wait3A_257 = arith.constant 0 : i32
    %dma_wait3A_258 = arith.constant 0 : i32
    %dma_wait3A_259 = tpu.memref_slice %arg9[%dma_wait3A_256, %dma_wait3A_257, %dma_wait3A_258] : memref<2x128x64xf32, #tpu.memory_space<vmem>> -> memref<1x128x64xf32, #tpu.memory_space<vmem>>
    %dma_wait3A_260 = tpu.memref_squeeze %dma_wait3A_259 : memref<1x128x64xf32, #tpu.memory_space<vmem>> -> memref<128x64xf32, #tpu.memory_space<vmem>>
    %dma_wait3A_261 = arith.constant 0 : i32
    %dma_wait3A_262 = tpu.memref_slice %arg7[%dma_wait3A_255, %dma_wait3A_261] : memref<4x128xi32, #tpu.memory_space<vmem>> -> memref<1x128xi32, #tpu.memory_space<vmem>>
    %dma_wait3A_263 = tpu.memref_squeeze %dma_wait3A_262 : memref<1x128xi32, #tpu.memory_space<vmem>> -> memref<128xi32, #tpu.memory_space<vmem>>
    %dma_wait3A_264 = arith.constant 0 : i32
    %dma_wait3A_265 = arith.constant 0 : i32
    %dma_wait3A_266 = tpu.memref_slice %arg4[%dma_wait3A_264, %dma_wait3A_265] : memref<1000000x64xf32, #tpu.memory_space<hbm>> -> memref<1000000x64xf32, #tpu.memory_space<hbm>>
    tpu.wait_indirect_dma semaphore(%arg11 : memref<!tpu.dma_semaphore, #tpu.memory_space<semaphore_mem>>) src(%dma_wait3A_266 : memref<1000000x64xf32, #tpu.memory_space<hbm>>) dst(%dma_wait3A_260 : memref<128x64xf32, #tpu.memory_space<vmem>>)
    %dma_wait3A_267 = arith.constant 2 : i32
    %dma_wait3A_268 = arith.constant 0 : i32
    %dma_wait3A_269 = arith.constant 0 : i32
    %dma_wait3A_270 = arith.constant 0 : i32
    %dma_wait3A_271 = tpu.memref_slice %arg10[%dma_wait3A_268, %dma_wait3A_269, %dma_wait3A_270] : memref<2x128x64xf32, #tpu.memory_space<vmem>> -> memref<1x128x64xf32, #tpu.memory_space<vmem>>
    %dma_wait3A_272 = tpu.memref_squeeze %dma_wait3A_271 : memref<1x128x64xf32, #tpu.memory_space<vmem>> -> memref<128x64xf32, #tpu.memory_space<vmem>>
    %dma_wait3A_273 = arith.constant 0 : i32
    %dma_wait3A_274 = tpu.memref_slice %arg8[%dma_wait3A_267, %dma_wait3A_273] : memref<4x128xi32, #tpu.memory_space<vmem>> -> memref<1x128xi32, #tpu.memory_space<vmem>>
    %dma_wait3A_275 = tpu.memref_squeeze %dma_wait3A_274 : memref<1x128xi32, #tpu.memory_space<vmem>> -> memref<128xi32, #tpu.memory_space<vmem>>
    %dma_wait3A_276 = arith.constant 0 : i32
    %dma_wait3A_277 = arith.constant 0 : i32
    %dma_wait3A_278 = tpu.memref_slice %arg5[%dma_wait3A_276, %dma_wait3A_277] : memref<1000000x64xf32, #tpu.memory_space<hbm>> -> memref<1000000x64xf32, #tpu.memory_space<hbm>>
    tpu.wait_indirect_dma semaphore(%arg11 : memref<!tpu.dma_semaphore, #tpu.memory_space<semaphore_mem>>) src(%dma_wait3A_278 : memref<1000000x64xf32, #tpu.memory_space<hbm>>) dst(%dma_wait3A_272 : memref<128x64xf32, #tpu.memory_space<vmem>>)
    %add3A_279 = arith.constant 256 : i32
    %add3A_280 = arith.addi %mul3A_4, %add3A_279 : i32
    %dma_start3A_281 = arith.constant 0 : i32
    %dma_start3A_282 = arith.constant 0 : i32
    %dma_start3A_283 = arith.constant 0 : i32
    %dma_start3A_284 = tpu.memref_slice %arg9[%dma_start3A_281, %dma_start3A_282, %dma_start3A_283] : memref<2x128x64xf32, #tpu.memory_space<vmem>> -> memref<1x128x64xf32, #tpu.memory_space<vmem>>
    %dma_start3A_285 = tpu.memref_squeeze %dma_start3A_284 : memref<1x128x64xf32, #tpu.memory_space<vmem>> -> memref<128x64xf32, #tpu.memory_space<vmem>>
    %dma_start3A_286 = arith.constant 0 : i32
    %dma_start3A_287 = tpu.memref_slice %arg6[%add3A_280, %dma_start3A_286] : memref<16384x128xf32, #tpu.memory_space<hbm>> -> memref<128x64xf32, #tpu.memory_space<hbm>>
    %dma_start3A_288 = arith.constant 0 : i32
    %dma_start3A_289 = tpu.memref_slice %arg6[%add3A_280, %dma_start3A_288] : memref<16384x128xf32, #tpu.memory_space<hbm>> -> memref<128x64xf32, #tpu.memory_space<hbm>>
    %dma_start3A_290 = arith.constant 0 : i32
    %dma_start3A_291 = arith.constant 0 : i32
    %dma_start3A_292 = tpu.memref_slice %arg9[%dma_start3A_281, %dma_start3A_290, %dma_start3A_291] : memref<2x128x64xf32, #tpu.memory_space<vmem>> -> memref<1x128x64xf32, #tpu.memory_space<vmem>>
    %dma_start3A_293 = tpu.memref_squeeze %dma_start3A_292 : memref<1x128x64xf32, #tpu.memory_space<vmem>> -> memref<128x64xf32, #tpu.memory_space<vmem>>
    tpu.enqueue_dma source(%dma_start3A_293 : memref<128x64xf32, #tpu.memory_space<vmem>>) target(%dma_start3A_289 : memref<128x64xf32, #tpu.memory_space<hbm>>) target_semaphore(%arg12 : memref<!tpu.dma_semaphore, #tpu.memory_space<semaphore_mem>>)
    %dma_start3A_294 = arith.constant 0 : i32
    %dma_start3A_295 = arith.constant 0 : i32
    %dma_start3A_296 = arith.constant 0 : i32
    %dma_start3A_297 = tpu.memref_slice %arg10[%dma_start3A_294, %dma_start3A_295, %dma_start3A_296] : memref<2x128x64xf32, #tpu.memory_space<vmem>> -> memref<1x128x64xf32, #tpu.memory_space<vmem>>
    %dma_start3A_298 = tpu.memref_squeeze %dma_start3A_297 : memref<1x128x64xf32, #tpu.memory_space<vmem>> -> memref<128x64xf32, #tpu.memory_space<vmem>>
    %dma_start3A_299 = arith.constant 64 : i32
    %dma_start3A_300 = tpu.memref_slice %arg6[%add3A_280, %dma_start3A_299] : memref<16384x128xf32, #tpu.memory_space<hbm>> -> memref<128x64xf32, #tpu.memory_space<hbm>>
    %dma_start3A_301 = arith.constant 64 : i32
    %dma_start3A_302 = tpu.memref_slice %arg6[%add3A_280, %dma_start3A_301] : memref<16384x128xf32, #tpu.memory_space<hbm>> -> memref<128x64xf32, #tpu.memory_space<hbm>>
    %dma_start3A_303 = arith.constant 0 : i32
    %dma_start3A_304 = arith.constant 0 : i32
    %dma_start3A_305 = tpu.memref_slice %arg10[%dma_start3A_294, %dma_start3A_303, %dma_start3A_304] : memref<2x128x64xf32, #tpu.memory_space<vmem>> -> memref<1x128x64xf32, #tpu.memory_space<vmem>>
    %dma_start3A_306 = tpu.memref_squeeze %dma_start3A_305 : memref<1x128x64xf32, #tpu.memory_space<vmem>> -> memref<128x64xf32, #tpu.memory_space<vmem>>
    tpu.enqueue_dma source(%dma_start3A_306 : memref<128x64xf32, #tpu.memory_space<vmem>>) target(%dma_start3A_302 : memref<128x64xf32, #tpu.memory_space<hbm>>) target_semaphore(%arg12 : memref<!tpu.dma_semaphore, #tpu.memory_space<semaphore_mem>>)
    %dma_wait3A_307 = arith.constant 0 : i32
    %dma_wait3A_308 = arith.constant 0 : i32
    %dma_wait3A_309 = arith.constant 0 : i32
    %dma_wait3A_310 = tpu.memref_slice %arg9[%dma_wait3A_307, %dma_wait3A_308, %dma_wait3A_309] : memref<2x128x64xf32, #tpu.memory_space<vmem>> -> memref<1x128x64xf32, #tpu.memory_space<vmem>>
    %dma_wait3A_311 = tpu.memref_squeeze %dma_wait3A_310 : memref<1x128x64xf32, #tpu.memory_space<vmem>> -> memref<128x64xf32, #tpu.memory_space<vmem>>
    %dma_wait3A_312 = arith.constant 0 : i32
    %dma_wait3A_313 = tpu.memref_slice %arg6[%add3A_280, %dma_wait3A_312] : memref<16384x128xf32, #tpu.memory_space<hbm>> -> memref<128x64xf32, #tpu.memory_space<hbm>>
    %dma_wait3A_314 = arith.constant 0 : i32
    %dma_wait3A_315 = tpu.memref_slice %arg6[%add3A_280, %dma_wait3A_314] : memref<16384x128xf32, #tpu.memory_space<hbm>> -> memref<128x64xf32, #tpu.memory_space<hbm>>
    %dma_wait3A_316 = arith.constant 0 : i32
    %dma_wait3A_317 = arith.constant 0 : i32
    %dma_wait3A_318 = tpu.memref_slice %arg9[%dma_wait3A_307, %dma_wait3A_316, %dma_wait3A_317] : memref<2x128x64xf32, #tpu.memory_space<vmem>> -> memref<1x128x64xf32, #tpu.memory_space<vmem>>
    %dma_wait3A_319 = tpu.memref_squeeze %dma_wait3A_318 : memref<1x128x64xf32, #tpu.memory_space<vmem>> -> memref<128x64xf32, #tpu.memory_space<vmem>>
    tpu.wait_dma2 semaphore(%arg12 : memref<!tpu.dma_semaphore, #tpu.memory_space<semaphore_mem>>) src(%dma_wait3A_319 : memref<128x64xf32, #tpu.memory_space<vmem>>) dst(%dma_wait3A_315 : memref<128x64xf32, #tpu.memory_space<hbm>>)
    %dma_wait3A_320 = arith.constant 0 : i32
    %dma_wait3A_321 = arith.constant 0 : i32
    %dma_wait3A_322 = arith.constant 0 : i32
    %dma_wait3A_323 = tpu.memref_slice %arg10[%dma_wait3A_320, %dma_wait3A_321, %dma_wait3A_322] : memref<2x128x64xf32, #tpu.memory_space<vmem>> -> memref<1x128x64xf32, #tpu.memory_space<vmem>>
    %dma_wait3A_324 = tpu.memref_squeeze %dma_wait3A_323 : memref<1x128x64xf32, #tpu.memory_space<vmem>> -> memref<128x64xf32, #tpu.memory_space<vmem>>
    %dma_wait3A_325 = arith.constant 64 : i32
    %dma_wait3A_326 = tpu.memref_slice %arg6[%add3A_280, %dma_wait3A_325] : memref<16384x128xf32, #tpu.memory_space<hbm>> -> memref<128x64xf32, #tpu.memory_space<hbm>>
    %dma_wait3A_327 = arith.constant 64 : i32
    %dma_wait3A_328 = tpu.memref_slice %arg6[%add3A_280, %dma_wait3A_327] : memref<16384x128xf32, #tpu.memory_space<hbm>> -> memref<128x64xf32, #tpu.memory_space<hbm>>
    %dma_wait3A_329 = arith.constant 0 : i32
    %dma_wait3A_330 = arith.constant 0 : i32
    %dma_wait3A_331 = tpu.memref_slice %arg10[%dma_wait3A_320, %dma_wait3A_329, %dma_wait3A_330] : memref<2x128x64xf32, #tpu.memory_space<vmem>> -> memref<1x128x64xf32, #tpu.memory_space<vmem>>
    %dma_wait3A_332 = tpu.memref_squeeze %dma_wait3A_331 : memref<1x128x64xf32, #tpu.memory_space<vmem>> -> memref<128x64xf32, #tpu.memory_space<vmem>>
    tpu.wait_dma2 semaphore(%arg12 : memref<!tpu.dma_semaphore, #tpu.memory_space<semaphore_mem>>) src(%dma_wait3A_332 : memref<128x64xf32, #tpu.memory_space<vmem>>) dst(%dma_wait3A_328 : memref<128x64xf32, #tpu.memory_space<hbm>>)
    %dma_wait3A_333 = arith.constant 3 : i32
    %dma_wait3A_334 = arith.constant 1 : i32
    %dma_wait3A_335 = arith.constant 0 : i32
    %dma_wait3A_336 = arith.constant 0 : i32
    %dma_wait3A_337 = tpu.memref_slice %arg9[%dma_wait3A_334, %dma_wait3A_335, %dma_wait3A_336] : memref<2x128x64xf32, #tpu.memory_space<vmem>> -> memref<1x128x64xf32, #tpu.memory_space<vmem>>
    %dma_wait3A_338 = tpu.memref_squeeze %dma_wait3A_337 : memref<1x128x64xf32, #tpu.memory_space<vmem>> -> memref<128x64xf32, #tpu.memory_space<vmem>>
    %dma_wait3A_339 = arith.constant 0 : i32
    %dma_wait3A_340 = tpu.memref_slice %arg7[%dma_wait3A_333, %dma_wait3A_339] : memref<4x128xi32, #tpu.memory_space<vmem>> -> memref<1x128xi32, #tpu.memory_space<vmem>>
    %dma_wait3A_341 = tpu.memref_squeeze %dma_wait3A_340 : memref<1x128xi32, #tpu.memory_space<vmem>> -> memref<128xi32, #tpu.memory_space<vmem>>
    %dma_wait3A_342 = arith.constant 0 : i32
    %dma_wait3A_343 = arith.constant 0 : i32
    %dma_wait3A_344 = tpu.memref_slice %arg4[%dma_wait3A_342, %dma_wait3A_343] : memref<1000000x64xf32, #tpu.memory_space<hbm>> -> memref<1000000x64xf32, #tpu.memory_space<hbm>>
    tpu.wait_indirect_dma semaphore(%arg11 : memref<!tpu.dma_semaphore, #tpu.memory_space<semaphore_mem>>) src(%dma_wait3A_344 : memref<1000000x64xf32, #tpu.memory_space<hbm>>) dst(%dma_wait3A_338 : memref<128x64xf32, #tpu.memory_space<vmem>>)
    %dma_wait3A_345 = arith.constant 3 : i32
    %dma_wait3A_346 = arith.constant 1 : i32
    %dma_wait3A_347 = arith.constant 0 : i32
    %dma_wait3A_348 = arith.constant 0 : i32
    %dma_wait3A_349 = tpu.memref_slice %arg10[%dma_wait3A_346, %dma_wait3A_347, %dma_wait3A_348] : memref<2x128x64xf32, #tpu.memory_space<vmem>> -> memref<1x128x64xf32, #tpu.memory_space<vmem>>
    %dma_wait3A_350 = tpu.memref_squeeze %dma_wait3A_349 : memref<1x128x64xf32, #tpu.memory_space<vmem>> -> memref<128x64xf32, #tpu.memory_space<vmem>>
    %dma_wait3A_351 = arith.constant 0 : i32
    %dma_wait3A_352 = tpu.memref_slice %arg8[%dma_wait3A_345, %dma_wait3A_351] : memref<4x128xi32, #tpu.memory_space<vmem>> -> memref<1x128xi32, #tpu.memory_space<vmem>>
    %dma_wait3A_353 = tpu.memref_squeeze %dma_wait3A_352 : memref<1x128xi32, #tpu.memory_space<vmem>> -> memref<128xi32, #tpu.memory_space<vmem>>
    %dma_wait3A_354 = arith.constant 0 : i32
    %dma_wait3A_355 = arith.constant 0 : i32
    %dma_wait3A_356 = tpu.memref_slice %arg5[%dma_wait3A_354, %dma_wait3A_355] : memref<1000000x64xf32, #tpu.memory_space<hbm>> -> memref<1000000x64xf32, #tpu.memory_space<hbm>>
    tpu.wait_indirect_dma semaphore(%arg11 : memref<!tpu.dma_semaphore, #tpu.memory_space<semaphore_mem>>) src(%dma_wait3A_356 : memref<1000000x64xf32, #tpu.memory_space<hbm>>) dst(%dma_wait3A_350 : memref<128x64xf32, #tpu.memory_space<vmem>>)
    %add3A_357 = arith.constant 384 : i32
    %add3A_358 = arith.addi %mul3A_4, %add3A_357 : i32
    %dma_start3A_359 = arith.constant 1 : i32
    %dma_start3A_360 = arith.constant 0 : i32
    %dma_start3A_361 = arith.constant 0 : i32
    %dma_start3A_362 = tpu.memref_slice %arg9[%dma_start3A_359, %dma_start3A_360, %dma_start3A_361] : memref<2x128x64xf32, #tpu.memory_space<vmem>> -> memref<1x128x64xf32, #tpu.memory_space<vmem>>
    %dma_start3A_363 = tpu.memref_squeeze %dma_start3A_362 : memref<1x128x64xf32, #tpu.memory_space<vmem>> -> memref<128x64xf32, #tpu.memory_space<vmem>>
    %dma_start3A_364 = arith.constant 0 : i32
    %dma_start3A_365 = tpu.memref_slice %arg6[%add3A_358, %dma_start3A_364] : memref<16384x128xf32, #tpu.memory_space<hbm>> -> memref<128x64xf32, #tpu.memory_space<hbm>>
    %dma_start3A_366 = arith.constant 0 : i32
    %dma_start3A_367 = tpu.memref_slice %arg6[%add3A_358, %dma_start3A_366] : memref<16384x128xf32, #tpu.memory_space<hbm>> -> memref<128x64xf32, #tpu.memory_space<hbm>>
    %dma_start3A_368 = arith.constant 0 : i32
    %dma_start3A_369 = arith.constant 0 : i32
    %dma_start3A_370 = tpu.memref_slice %arg9[%dma_start3A_359, %dma_start3A_368, %dma_start3A_369] : memref<2x128x64xf32, #tpu.memory_space<vmem>> -> memref<1x128x64xf32, #tpu.memory_space<vmem>>
    %dma_start3A_371 = tpu.memref_squeeze %dma_start3A_370 : memref<1x128x64xf32, #tpu.memory_space<vmem>> -> memref<128x64xf32, #tpu.memory_space<vmem>>
    tpu.enqueue_dma source(%dma_start3A_371 : memref<128x64xf32, #tpu.memory_space<vmem>>) target(%dma_start3A_367 : memref<128x64xf32, #tpu.memory_space<hbm>>) target_semaphore(%arg12 : memref<!tpu.dma_semaphore, #tpu.memory_space<semaphore_mem>>)
    %dma_start3A_372 = arith.constant 1 : i32
    %dma_start3A_373 = arith.constant 0 : i32
    %dma_start3A_374 = arith.constant 0 : i32
    %dma_start3A_375 = tpu.memref_slice %arg10[%dma_start3A_372, %dma_start3A_373, %dma_start3A_374] : memref<2x128x64xf32, #tpu.memory_space<vmem>> -> memref<1x128x64xf32, #tpu.memory_space<vmem>>
    %dma_start3A_376 = tpu.memref_squeeze %dma_start3A_375 : memref<1x128x64xf32, #tpu.memory_space<vmem>> -> memref<128x64xf32, #tpu.memory_space<vmem>>
    %dma_start3A_377 = arith.constant 64 : i32
    %dma_start3A_378 = tpu.memref_slice %arg6[%add3A_358, %dma_start3A_377] : memref<16384x128xf32, #tpu.memory_space<hbm>> -> memref<128x64xf32, #tpu.memory_space<hbm>>
    %dma_start3A_379 = arith.constant 64 : i32
    %dma_start3A_380 = tpu.memref_slice %arg6[%add3A_358, %dma_start3A_379] : memref<16384x128xf32, #tpu.memory_space<hbm>> -> memref<128x64xf32, #tpu.memory_space<hbm>>
    %dma_start3A_381 = arith.constant 0 : i32
    %dma_start3A_382 = arith.constant 0 : i32
    %dma_start3A_383 = tpu.memref_slice %arg10[%dma_start3A_372, %dma_start3A_381, %dma_start3A_382] : memref<2x128x64xf32, #tpu.memory_space<vmem>> -> memref<1x128x64xf32, #tpu.memory_space<vmem>>
    %dma_start3A_384 = tpu.memref_squeeze %dma_start3A_383 : memref<1x128x64xf32, #tpu.memory_space<vmem>> -> memref<128x64xf32, #tpu.memory_space<vmem>>
    tpu.enqueue_dma source(%dma_start3A_384 : memref<128x64xf32, #tpu.memory_space<vmem>>) target(%dma_start3A_380 : memref<128x64xf32, #tpu.memory_space<hbm>>) target_semaphore(%arg12 : memref<!tpu.dma_semaphore, #tpu.memory_space<semaphore_mem>>)
    %dma_wait3A_385 = arith.constant 1 : i32
    %dma_wait3A_386 = arith.constant 0 : i32
    %dma_wait3A_387 = arith.constant 0 : i32
    %dma_wait3A_388 = tpu.memref_slice %arg9[%dma_wait3A_385, %dma_wait3A_386, %dma_wait3A_387] : memref<2x128x64xf32, #tpu.memory_space<vmem>> -> memref<1x128x64xf32, #tpu.memory_space<vmem>>
    %dma_wait3A_389 = tpu.memref_squeeze %dma_wait3A_388 : memref<1x128x64xf32, #tpu.memory_space<vmem>> -> memref<128x64xf32, #tpu.memory_space<vmem>>
    %dma_wait3A_390 = arith.constant 0 : i32
    %dma_wait3A_391 = tpu.memref_slice %arg6[%add3A_358, %dma_wait3A_390] : memref<16384x128xf32, #tpu.memory_space<hbm>> -> memref<128x64xf32, #tpu.memory_space<hbm>>
    %dma_wait3A_392 = arith.constant 0 : i32
    %dma_wait3A_393 = tpu.memref_slice %arg6[%add3A_358, %dma_wait3A_392] : memref<16384x128xf32, #tpu.memory_space<hbm>> -> memref<128x64xf32, #tpu.memory_space<hbm>>
    %dma_wait3A_394 = arith.constant 0 : i32
    %dma_wait3A_395 = arith.constant 0 : i32
    %dma_wait3A_396 = tpu.memref_slice %arg9[%dma_wait3A_385, %dma_wait3A_394, %dma_wait3A_395] : memref<2x128x64xf32, #tpu.memory_space<vmem>> -> memref<1x128x64xf32, #tpu.memory_space<vmem>>
    %dma_wait3A_397 = tpu.memref_squeeze %dma_wait3A_396 : memref<1x128x64xf32, #tpu.memory_space<vmem>> -> memref<128x64xf32, #tpu.memory_space<vmem>>
    tpu.wait_dma2 semaphore(%arg12 : memref<!tpu.dma_semaphore, #tpu.memory_space<semaphore_mem>>) src(%dma_wait3A_397 : memref<128x64xf32, #tpu.memory_space<vmem>>) dst(%dma_wait3A_393 : memref<128x64xf32, #tpu.memory_space<hbm>>)
    %dma_wait3A_398 = arith.constant 1 : i32
    %dma_wait3A_399 = arith.constant 0 : i32
    %dma_wait3A_400 = arith.constant 0 : i32
    %dma_wait3A_401 = tpu.memref_slice %arg10[%dma_wait3A_398, %dma_wait3A_399, %dma_wait3A_400] : memref<2x128x64xf32, #tpu.memory_space<vmem>> -> memref<1x128x64xf32, #tpu.memory_space<vmem>>
    %dma_wait3A_402 = tpu.memref_squeeze %dma_wait3A_401 : memref<1x128x64xf32, #tpu.memory_space<vmem>> -> memref<128x64xf32, #tpu.memory_space<vmem>>
    %dma_wait3A_403 = arith.constant 64 : i32
    %dma_wait3A_404 = tpu.memref_slice %arg6[%add3A_358, %dma_wait3A_403] : memref<16384x128xf32, #tpu.memory_space<hbm>> -> memref<128x64xf32, #tpu.memory_space<hbm>>
    %dma_wait3A_405 = arith.constant 64 : i32
    %dma_wait3A_406 = tpu.memref_slice %arg6[%add3A_358, %dma_wait3A_405] : memref<16384x128xf32, #tpu.memory_space<hbm>> -> memref<128x64xf32, #tpu.memory_space<hbm>>
    %dma_wait3A_407 = arith.constant 0 : i32
    %dma_wait3A_408 = arith.constant 0 : i32
    %dma_wait3A_409 = tpu.memref_slice %arg10[%dma_wait3A_398, %dma_wait3A_407, %dma_wait3A_408] : memref<2x128x64xf32, #tpu.memory_space<vmem>> -> memref<1x128x64xf32, #tpu.memory_space<vmem>>
    %dma_wait3A_410 = tpu.memref_squeeze %dma_wait3A_409 : memref<1x128x64xf32, #tpu.memory_space<vmem>> -> memref<128x64xf32, #tpu.memory_space<vmem>>
    tpu.wait_dma2 semaphore(%arg12 : memref<!tpu.dma_semaphore, #tpu.memory_space<semaphore_mem>>) src(%dma_wait3A_410 : memref<128x64xf32, #tpu.memory_space<vmem>>) dst(%dma_wait3A_406 : memref<128x64xf32, #tpu.memory_space<hbm>>)
    return
  }
}

module attributes {stable_mosaic.version = 14 : i64} {
  func.func @_mlp_body(%arg0: i32, %arg1: memref<2048x128xf32, #tpu.memory_space<vmem>>, %arg2: memref<128x96xf32, #tpu.memory_space<vmem>>, %arg3: memref<1x96xf32, #tpu.memory_space<vmem>>, %arg4: memref<96x64xf32, #tpu.memory_space<vmem>>, %arg5: memref<1x64xf32, #tpu.memory_space<vmem>>, %arg6: memref<1x64xf32, #tpu.memory_space<vmem>>, %arg7: memref<1x1xf32, #tpu.memory_space<vmem>>, %arg8: memref<2048xf32, #tpu.memory_space<vmem>>) attributes {dimension_semantics = [#tpu.dimension_semantics<arbitrary>], iteration_bounds = array<i64: 8>, scalar_prefetch = 0 : i64, scratch_operands = 0 : i64, tpu.core_type = #tpu.core_type<tc>, window_params = [{transform_indices = @transform_0, window_bounds = array<i64: 2048, 128>}, {pipeline_mode = #tpu.pipeline_mode<synchronous>, transform_indices = @transform_1, window_bounds = array<i64: 128, 96>}, {pipeline_mode = #tpu.pipeline_mode<synchronous>, transform_indices = @transform_2, window_bounds = array<i64: 1, 96>}, {pipeline_mode = #tpu.pipeline_mode<synchronous>, transform_indices = @transform_3, window_bounds = array<i64: 96, 64>}, {pipeline_mode = #tpu.pipeline_mode<synchronous>, transform_indices = @transform_4, window_bounds = array<i64: 1, 64>}, {pipeline_mode = #tpu.pipeline_mode<synchronous>, transform_indices = @transform_5, window_bounds = array<i64: 1, 64>}, {pipeline_mode = #tpu.pipeline_mode<synchronous>, transform_indices = @transform_6, window_bounds = array<i64: 1, 1>}, {transform_indices = @transform_7, window_bounds = array<i64: 2048>}]} {
    %get3A = arith.constant 0 : index
    %get3A_0 = arith.constant 0 : index
    %get3A_1 = vector.load %arg1[%get3A, %get3A_0] : memref<2048x128xf32, #tpu.memory_space<vmem>>, vector<2048x128xf32>
    %get3A_2 = arith.constant 0 : index
    %get3A_3 = arith.constant 0 : index
    %get3A_4 = vector.load %arg2[%get3A_2, %get3A_3] : memref<128x96xf32, #tpu.memory_space<vmem>>, vector<128x96xf32>
    %dot_general3A = arith.constant dense<0.000000e+00> : vector<2048x96xf32>
    %dot_general3A_5 = tpu.matmul %get3A_1, %get3A_4, %dot_general3A {dimension_numbers = #tpu.dot_dimension_numbers<[1], [0], [0], [1], [0, 0, 1, 1], [], []>, precision = #tpu.contract_precision<fp32>, transpose_lhs_hint = false} : vector<2048x128xf32>, vector<128x96xf32>, vector<2048x96xf32> -> vector<2048x96xf32>
    %get3A_6 = arith.constant 0 : index
    %get3A_7 = arith.constant 0 : index
    %get3A_8 = vector.load %arg3[%get3A_6, %get3A_7] : memref<1x96xf32, #tpu.memory_space<vmem>>, vector<1x96xf32>
    %add3A = vector.broadcast %get3A_8 : vector<1x96xf32> to vector<2048x96xf32>
    %add3A_9 = arith.addf %dot_general3A_5, %add3A : vector<2048x96xf32>
    %max3A = arith.constant 0.000000e+00 : f32
    %max3A_10 = vector.broadcast %max3A : f32 to vector<2048x96xf32>
    %max3A_11 = arith.maximumf %add3A_9, %max3A_10 : vector<2048x96xf32>
    %get3A_12 = arith.constant 0 : index
    %get3A_13 = arith.constant 0 : index
    %get3A_14 = vector.load %arg4[%get3A_12, %get3A_13] : memref<96x64xf32, #tpu.memory_space<vmem>>, vector<96x64xf32>
    %dot_general3A_15 = arith.constant dense<0.000000e+00> : vector<2048x64xf32>
    %dot_general3A_16 = tpu.matmul %max3A_11, %get3A_14, %dot_general3A_15 {dimension_numbers = #tpu.dot_dimension_numbers<[1], [0], [0], [1], [0, 0, 1, 1], [], []>, precision = #tpu.contract_precision<fp32>, transpose_lhs_hint = false} : vector<2048x96xf32>, vector<96x64xf32>, vector<2048x64xf32> -> vector<2048x64xf32>
    %get3A_17 = arith.constant 0 : index
    %get3A_18 = arith.constant 0 : index
    %get3A_19 = vector.load %arg5[%get3A_17, %get3A_18] : memref<1x64xf32, #tpu.memory_space<vmem>>, vector<1x64xf32>
    %add3A_20 = vector.broadcast %get3A_19 : vector<1x64xf32> to vector<2048x64xf32>
    %add3A_21 = arith.addf %dot_general3A_16, %add3A_20 : vector<2048x64xf32>
    %max3A_22 = arith.constant 0.000000e+00 : f32
    %max3A_23 = vector.broadcast %max3A_22 : f32 to vector<2048x64xf32>
    %max3A_24 = arith.maximumf %add3A_21, %max3A_23 : vector<2048x64xf32>
    %get3A_25 = arith.constant 0 : index
    %get3A_26 = arith.constant 0 : index
    %get3A_27 = vector.load %arg6[%get3A_25, %get3A_26] : memref<1x64xf32, #tpu.memory_space<vmem>>, vector<1x64xf32>
    %mul3A = vector.broadcast %get3A_27 : vector<1x64xf32> to vector<2048x64xf32>
    %mul3A_28 = arith.mulf %max3A_24, %mul3A : vector<2048x64xf32>
    %reduce_sum3A = arith.constant dense<0.000000e+00> : vector<2048xf32>
    %reduce_sum3A_29 = vector.multi_reduction <add>, %mul3A_28, %reduce_sum3A [1] : vector<2048x64xf32> to vector<2048xf32>
    %get3A_30 = arith.constant 0 : index
    %get3A_31 = arith.constant 0 : index
    %get3A_32 = vector.load %arg7[%get3A_30, %get3A_31] : memref<1x1xf32, #tpu.memory_space<vmem>>, vector<1x1xf32>
    %get3A_33 = vector.extract %get3A_32[0, 0] : f32 from vector<1x1xf32>
    %add3A_34 = vector.broadcast %get3A_33 : f32 to vector<2048xf32>
    %add3A_35 = arith.addf %reduce_sum3A_29, %add3A_34 : vector<2048xf32>
    %logistic3A = arith.negf %add3A_35 : vector<2048xf32>
    %logistic3A_36 = math.exp %logistic3A : vector<2048xf32>
    %logistic3A_37 = arith.constant 1.000000e+00 : f32
    %logistic3A_38 = vector.broadcast %logistic3A_37 : f32 to vector<2048xf32>
    %logistic3A_39 = arith.addf %logistic3A_38, %logistic3A_36 : vector<2048xf32>
    %logistic3A_40 = arith.divf %logistic3A_38, %logistic3A_39 : vector<2048xf32>
    %swap3A = arith.constant 0 : index
    %swap3A_41 = vector.load %arg8[%swap3A] : memref<2048xf32, #tpu.memory_space<vmem>>, vector<2048xf32>
    tpu.vector_store %arg8[%swap3A], %logistic3A_40 {strides = array<i32>} : memref<2048xf32, #tpu.memory_space<vmem>>, vector<2048xf32>,
    return
  }
  func.func @transform_0(%arg0: i32) -> (i32, i32) {
    %c0_i32 = arith.constant 0 : i32
    %c0_i32_0 = arith.constant 0 : i32
    return %arg0, %c0_i32 : i32, i32
  }
  func.func @transform_1(%arg0: i32) -> (i32, i32) {
    %c0_i32 = arith.constant 0 : i32
    %c0_i32_0 = arith.constant 0 : i32
    %c0_i32_1 = arith.constant 0 : i32
    return %c0_i32, %c0_i32_0 : i32, i32
  }
  func.func @transform_2(%arg0: i32) -> (i32, i32) {
    %c0_i32 = arith.constant 0 : i32
    %c0_i32_0 = arith.constant 0 : i32
    %c0_i32_1 = arith.constant 0 : i32
    return %c0_i32, %c0_i32_0 : i32, i32
  }
  func.func @transform_3(%arg0: i32) -> (i32, i32) {
    %c0_i32 = arith.constant 0 : i32
    %c0_i32_0 = arith.constant 0 : i32
    %c0_i32_1 = arith.constant 0 : i32
    return %c0_i32, %c0_i32_0 : i32, i32
  }
  func.func @transform_4(%arg0: i32) -> (i32, i32) {
    %c0_i32 = arith.constant 0 : i32
    %c0_i32_0 = arith.constant 0 : i32
    %c0_i32_1 = arith.constant 0 : i32
    return %c0_i32, %c0_i32_0 : i32, i32
  }
  func.func @transform_5(%arg0: i32) -> (i32, i32) {
    %c0_i32 = arith.constant 0 : i32
    %c0_i32_0 = arith.constant 0 : i32
    %c0_i32_1 = arith.constant 0 : i32
    return %c0_i32, %c0_i32_0 : i32, i32
  }
  func.func @transform_6(%arg0: i32) -> (i32, i32) {
    %c0_i32 = arith.constant 0 : i32
    %c0_i32_0 = arith.constant 0 : i32
    %c0_i32_1 = arith.constant 0 : i32
    return %c0_i32, %c0_i32_0 : i32, i32
  }
  func.func @transform_7(%arg0: i32) -> i32 {
    %c0_i32 = arith.constant 0 : i32
    return %arg0 : i32
  }
}

</mosaic_0001>

<sc_bundles>
// kernel: kernel.4.cloned.1.call-start
scs
__scs_entry_jumppad:
0x0: {  	(pc) =	sbr.rel $0x88, $3  }
0x1: {  	(tag) =	ssettag $0x0;
	lr =	simm.s32 $0x1  }
0x2: {  	[smem:$0x3F98] =	sst lr;
	_ =	strace $0xD0000000  }
0x3: {  	_ = 	snop  }
0x4: {  	_ = 	snop  }
0x5: {  	_ = 	snop  }
0x6: {  	_ = 	snop  }
0x7: {  	_ = 	snop  }
__scs_overlays_trampoline_lowered:
0x8: {  	[smem:$0x3FA7] =	sst s0  }
0x9: {  	[smem:$0x3FA8] =	sst s1  }
0xa: {  	[smem:$0x3FA9] =	sst s2  }
0xb: {  	[smem:$0x3FAA] =	sst s3  }
0xc: {  	[smem:$0x3FAB] =	sst s4  }
0xd: {  	[smem:$0x3FAC] =	sst s5  }
0xe: {  	[smem:$0x3FAD] =	sst s6  }
0xf: {  	[smem:$0x3FAE] =	sst s7  }
0x10: {  	[smem:$0x3FAF] =	sst s8  }
0x11: {  	[smem:$0x3FB0] =	sst s9;
	s0 =	simm.s32 @!p0 $0x0  }
0x12: {  	s1 =	sld [smem:$0x3F96];
	s0 =	simm.s32 @p0 $0x1  }
0x13: {  	[smem:$0x3FB1] =	sst s0;
	s0 =	simm.s32 @!p1 $0x0  }
0x14: {  	s2 =	sld [smem:$0x3F95];
	s0 =	simm.s32 @p1 $0x1  }
0x15: {  	[smem:$0x3FB2] =	sst s0;
	s0 =	simm.s32 @!p2 $0x0  }
0x16: {  	s3 =	sld [smem:$0x3FDB];
	s0 =	simm.s32 @p2 $0x1  }
0x17: {  	s4 =	simm.s32 $0x1BF5;
	[smem:$0x3FB4] =	sst s0  }
0x18: {  	s0 =	sld [smem:$0x3F97];
	_ =	swait.ge [sflag:s4], $0x0  }
0x19: {  	s7 =	sld [smem:$0x3F98]  }
0x1a: {  	s8 =	sadd.s32 $0xFFFFE003, lr  }
0x1b: {  	s9 =	sadd.s32 $0xFFFFFEF7, lr;
	s5 =	simm.s32 $0xFFFFFFFF;
	p2 =	slt.u32 s8, $0xFFFFF086  }
0x1c: {  	p1 =	slt.u32 s9, $0xF7A;
	s5 =	simm.s32 @!p2 $0x0  }
0x1d: {  	s5 =	simm.s32 @p1 $0x1;
	p0 =	seq.s32 s7, s2  }
0x1e: {  	s7 =	smul.u32 @!p0 $0xF7A, s2;
	p2 =	seq.s32 @!p0 s5, $0x0  }
0x1f: {  	s9 =	smul.u32 $0xF7A, s1;
	s8 =	simm.s32 @!p0 $0x1BF5;
	p2 =	por !p2, p0  }
0x20: {  	[sflag:s8] =	ssyncset.s32 @!p0 $0xFFFFF086;
	s6 =	sadd.s32 @!p0 s3, s7;
	s7 =	simm.s32 @!p0 $0x108  }
0x21: {  	s3 =	sadd.s32 s3, s9;
	s6 =	sadd.s32 @!p0 $0x88, s6;
	s7 =	simm.s32 @p2 $0x1082  }
0x22: {  	[simem:s7], [sflag:s8] =	dma.local @!p0 [hbm:s6], $0xF7A  }
0x23: {  	s9 =	sor.u32 $0xD0000000, s2;
	s6 =	simm.s32 $0x108;
	_ =	swait.ge @!p0 [sflag:s8], $0x0  }
0x24: {  	s3 =	sadd.s32 $0x88, s3;
	s6 =	simm.s32 @!p1 $0x1082;
	[sflag:s4] =	ssyncset.s32 $0xFFFFF086  }
0x25: {  	[simem:s6], [sflag:s4] =	dma.local [hbm:s3], $0xF7A  }
0x26: {  	[smem:$0x3F98] =	sst s1;
	(tag) =	ssettag s2;
	_ =	strace s9  }
0x27: {  	s1 =	sld [smem:$0x3FA8]  }
0x28: {  	s2 =	sld [smem:$0x3FA9]  }
0x29: {  	s4 =	sld [smem:$0x3FAB]  }
0x2a: {  	p0 =	seq.s32 s5, $0x0;
	s5 =	sld [smem:$0x3FAC]  }
0x2b: {  	s6 =	sld [smem:$0x3FAD]  }
0x2c: {  	s7 =	sld [smem:$0x3FAE]  }
0x2d: {  	s3 =	simm.s32 $0x108;
	s8 =	sld [smem:$0x3FAF]  }
0x2e: {  	s3 =	simm.s32 @!p0 $0x1082;
	s9 =	sld [smem:$0x3FB0]  }
0x2f: {  	lr =	sadd.s32 s0, s3;
	s0 =	sld [smem:$0x3FA7]  }
0x30: {  	s3 =	sld [smem:$0x3FAA]  }
0x31: {  	[smem:$0x3FB3] =	sst s10  }
0x32: {  	s10 =	sld [smem:$0x3FB1];
	_ =	sdelay $0x3  }
0x33: {  	p0 =	seq.s32 s10, $0x1;
	s10 =	sld [smem:$0x3FB3];
	_ =	sdelay $0x3  }
0x34: {  	[smem:$0x3FB3] =	sst s10  }
0x35: {  	s10 =	sld [smem:$0x3FB2];
	_ =	sdelay $0x3  }
0x36: {  	p1 =	seq.s32 s10, $0x1;
	s10 =	sld [smem:$0x3FB3];
	_ =	sdelay $0x3  }
0x37: {  	[smem:$0x3FB3] =	sst s10  }
0x38: {  	s10 =	sld [smem:$0x3FB4]  }
0x39: {  	_ = 	snop;
	(pc) =	sbr.ind lr, $3  }
0x3a: {  	_ = 	snop  }
0x3b: {  	_ = 	snop  }
0x3c: {  	p2 =	seq.s32 s10, $0x1;
	s10 =	sld [smem:$0x3FB3]  }
0x3d: {  	_ =	shalt  }
0x3e: {  	_ =	shalt  }
0x3f: {  	_ =	shalt  }
0x40: {  	_ =	shalt  }
0x41: {  	_ =	shalt  }
0x42: {  	_ =	shalt  }
0x43: {  	_ =	shalt  }
0x44: {  	_ =	shalt  }
0x45: {  	_ =	shalt  }
0x46: {  	_ =	shalt  }
0x47: {  	_ =	shalt  }
0x48: {  	_ =	shalt  }
0x49: {  	_ =	shalt  }
0x4a: {  	_ =	shalt  }
0x4b: {  	_ =	shalt  }
0x4c: {  	_ =	shalt  }
0x4d: {  	_ =	shalt  }
0x4e: {  	_ =	shalt  }
0x4f: {  	_ =	shalt  }
0x50: {  	_ =	shalt  }
0x51: {  	_ =	shalt  }
0x52: {  	_ =	shalt  }
0x53: {  	_ =	shalt  }
0x54: {  	_ =	shalt  }
0x55: {  	_ =	shalt  }
0x56: {  	_ =	shalt  }
0x57: {  	_ =	shalt  }
0x58: {  	_ =	shalt  }
0x59: {  	_ =	shalt  }
0x5a: {  	_ =	shalt  }
0x5b: {  	_ =	shalt  }
0x5c: {  	_ =	shalt  }
0x5d: {  	_ =	shalt  }
0x5e: {  	_ =	shalt  }
0x5f: {  	_ =	shalt  }
0x60: {  	_ =	shalt  }
0x61: {  	_ =	shalt  }
0x62: {  	_ =	shalt  }
0x63: {  	_ =	shalt  }
0x64: {  	_ =	shalt  }
0x65: {  	_ =	shalt  }
0x66: {  	_ =	shalt  }
0x67: {  	_ =	shalt  }
0x68: {  	_ =	shalt  }
0x69: {  	_ =	shalt  }
0x6a: {  	_ =	shalt  }
0x6b: {  	_ =	shalt  }
0x6c: {  	_ =	shalt  }
0x6d: {  	_ =	shalt  }
0x6e: {  	_ =	shalt  }
0x6f: {  	_ =	shalt  }
0x70: {  	_ =	shalt  }
0x71: {  	_ =	shalt  }
0x72: {  	_ =	shalt  }
0x73: {  	_ =	shalt  }
0x74: {  	_ =	shalt  }
0x75: {  	_ =	shalt  }
0x76: {  	_ =	shalt  }
0x77: {  	_ =	shalt  }
0x78: {  	_ =	shalt  }
0x79: {  	_ =	shalt  }
0x7a: {  	_ =	shalt  }
0x7b: {  	_ =	shalt  }
0x7c: {  	_ =	shalt  }
0x7d: {  	_ =	shalt  }
0x7e: {  	_ =	shalt  }
0x7f: {  	_ =	shalt  }
0x80: {  	_ =	shalt  }
0x81: {  	_ =	shalt  }
0x82: {  	_ =	shalt  }
0x83: {  	_ =	shalt  }
0x84: {  	_ =	shalt  }
0x85: {  	_ =	shalt  }
0x86: {  	_ =	shalt  }
0x87: {  	_ =	shalt  }
.Lfunc_end0:
.L_simem_size_0:
called_computation_lowered:
.L_overlay_start_0:
0x88: {  	s2 =	sld [smem:$0x3FD9]  }
0x89: {  	s3 =	sld [smem:$0x3FFE];
	_ =	sdelay $0x1  }
0x8a: {  	s1 =	srdreg.scid  }
0x8b: {  	s0 =	sand.u32 $0x1, s1  }
0x8c: {  	s17 =	sshll.u32 s0, $0xA;
	s2 =	sadd.s32 s3, s2  }
0x8d: {  	s2 =	sadd.s32 s2, s17  }
0x8e: {  	[smem:$0x3FBF] =	sst s2  }
0x8f: {  	_ = 	snop  }
0x90: {  	s2 =	sld [smem:$0x3FD0];
	(tm) =	ssettm $0x1  }
0x91: {  	s18 =	sld [smem:$0x3FFB];
	_ =	sdelay $0x3  }
0x92: {  	_ =	strace s18  }
0x93: {  	s3 =	sld [smem:$0x3FFC];
	_ =	sdelay $0x3  }
0x94: {  	_ =	strace s3  }
0x95: {  	s3 =	sld [smem:$0x3FFD];
	_ =	sdelay $0x3  }
0x96: {  	_ =	strace s3  }
0x97: {  	_ =	strace $0x8FFFFFFF  }
0x98: {  	s19 =	sld [smem:$0x3FDB];
	_ =	sdelay $0x1  }
0x99: {  	s4 =	simm.s32 $_scs_section_size  }
0x9a: {  	s5 =	simm.s32 $_size__tile_overlayer_lowered;
	s6 =	simm.s32 $_tile_overlayer_lowered  }
0x9b: {  	s22 =	simm.s32 $0x1BFF;
	s21 =	sshll.u32 s6, $0x1;
	s3 =	sadd.s32 s4, s19  }
0x9c: {  	s7 =	simm.s32 $0x0;
	s20 =	sshll.u32 s5, $0x1;
	s5 =	sadd.s32 s21, s3  }
0x9d: {  	[timem:s7], [sflag:s22] =	dma.local [hbm:s5], s20  }
0x9e: {  	_ =	swait.ge [sflag:s22], s20  }
0x9f: {  	s4 =	ssub.s32 $0x0, s20;
	[sflag:s22] =	ssyncset.done $0x0  }
0xa0: {  	[sflag:s22] =	ssyncadd.s32 s4;
	_ =	sdelay $0x1  }
0xa1: {  	s23 =	simm.s32 $0x1B8B  }
0xa2: {  	_ =	swait.ge [sflag:s23], $0x1  }
0xa3: {  	[sflag:s23] =	ssyncset.done $0x0  }
0xa4: {  	s25 =	simm.s32 $0x1B8E;
	s24 =	sld [smem:$0x3FFE];
	[sflag:s23] =	ssyncadd.s32 $0xFFFFFFFF  }
0xa5: {  	s26 =	simm.s32 $execute0_lowered;
	[smem:$0x3FD2] =	sst s25  }
0xa6: {  	s5 =	sshll.u32 s26, $0x1;
	_ =	strace $0x80000046;
	[dreg:$0x1] =	wrdreg $0xFFFFFFFF  }
0xa7: {  	s28 =	simm.s32 $_size_execute0_lowered;
	s3 =	sadd.s32 s3, s5;
	[dreg:$0x0] =	wrdreg $0x0  }
0xa8: {  	s5 =	sshll.u32 s28, $0x1;
	[dreg:$0x2] =	wrdreg s3  }
0xa9: {  	[dreg:$0x3] =	wrdreg s5  }
0xaa: {  	[dreg:$0x4] =	wrdreg $0xC0  }
0xab: {  	_ =	task [dreg:s7], $0x5FFFF  }
0xac: {  	[dreg:$0x1] =	wrdreg $0xFFFFFFFF  }
0xad: {  	[dreg:$0x0] =	wrdreg $0x60  }
0xae: {  	[dreg:$0x2] =	wrdreg s24  }
0xaf: {  	[dreg:$0x3] =	wrdreg s2  }
0xb0: {  	[dreg:$0x4] =	wrdreg $0x9  }
0xb1: {  	_ =	task.clear_ibuf [dreg:s7], $0x5FFFF;
	_ =	strace $0x90000046  }
0xb2: {  	s29 =	simm.s32 $0x9;
	_ =	strace $0x80000048  }
0xb3: {  	_ =	swait.ge [sflag:s29], $0x1  }
0xb4: {  	[sflag:s29] =	ssyncadd.s32 $0xFFFFFFFF  }
0xb5: {  	_ =	strace $0x90000048  }
0xb6: {  	_ =	sfence  }
0xb7: {  	s30 =	sld [smem:$0x0];
	_ =	sdelay $0x2  }
0xb8: {  	s31 =	sshll.u32 s1, $0xD;
	s1 =	sshrl.u32 s1, $0x2  }
0xb9: {  	s3 =	sand.u32 $0x4000, s31;
	s1 =	sadd.s32 s1, s30  }
0xba: {  	s0 =	sor.u32 s3, s0;
	s1 =	sshll.u32 s1, $0x11  }
0xbb: {  	s0 =	sor.u32 s1, s0  }
0xbc: {  	s0 =	sadd.s32 $0x8F2B, s0  }
0xbd: {  	[sflag:s0] =	ssyncadd.remote.s32 $0x1  }
0xbe: {  	_ =	sfence.sel $0xFFFF  }
0xbf: {  	[dreg:$0x0] =	wrdreg $0xFFFFFFFF;
	(pc) =	sbr.abs _section_cstart, $3  }
0xc0: {  	[dreg:$0x1] =	wrdreg $0xFFFFFFFF  }
0xc1: {  	_ =	task.clear_ibuf [dreg:s7], $0x2FFFF;
	_ =	strace $0x9FFFFFFF  }
0xc2: {  	(tm) =	ssettm $0x7FFFFFFF  }
0xc3: {  	_ =	shalt  }
tec
execute0_lowered:
.L_overlay_start_1:
0x0: {  	(tag) =	ssettag $0x1  }
0x1: {  	s1 =	srdreg.scid;
	s0 =	stileid.u32  }
0x2: {  	s30 =	sand.u32 $0x1, s1;
	s26 =	sshll.u32 s0, $0x1  }
0x3: {  	s16 =	rddreg [dreg:$0x0];
	s17 =	sor.u32 s30, s26  }
0x4: {  	s5 =	rddreg [dreg:$0x1];
	s2 =	simm.s32 $0x0;
	s6 =	sshll.u32 s17, $0x6  }
0x5: {  	[smem:$0x7FF] =	sst s2;
	s3 =	sadd.s32 s6, s16  }
0x6: {  	s4 =	simm.s32 $0x3;
	_ =	strace $0x80000047;
	s3 =	sadd.s32 $0x1200, s3  }
0x7: {  	[tilespmem:s2], [sflag:$0x3] =	stream.linear.gather [hbm4b:s3+s2], $0x200, $0x38;
	[tilespmem:$0x8400] =	vst v63  }
0x8: {  	_ =	swait.ge [sflag:s4], $0x200  }
0x9: {  	[sflag:s4] =	ssyncset.done $0x0  }
0xa: {  	s5 =	sadd.s32 s5, s6;
	s6 =	simm.s32 $0x200;
	[sflag:s4] =	ssyncadd.s32 $0xFFFFFE00  }
0xb: {  	[tilespmem:s6], [sflag:$0x3] =	stream.linear.gather [hbm4b:s5+s2], $0x200, $0x38;
	[tilespmem:$0x8400] =	vst v63  }
0xc: {  	_ =	swait.ge [sflag:s4], $0x200  }
0xd: {  	s8 =	simm.s32 $0x80;
	[sflag:s4] =	ssyncset.done $0x0  }
0xe: {  	s9 =	simm.s32 $0x400;
	s7 =	sadd.s32 $0x16E5000, s16;
	[sflag:s4] =	ssyncadd.s32 $0xFFFFFE00  }
0xf: {  	[tilespmem:s9], [sflag:$0x1] =	stream.indirect.gather [hbm4b:s7+s8], $0x40, s2, s8, $0xb8;
	[tilespmem:$0x8400] =	vst v63  }
0x10: {  	s11 =	simm.s32 $0x4400;
	s10 =	sadd.s32 $0xF43E00, s16  }
0x11: {  	[tilespmem:s11], [sflag:$0x1] =	stream.indirect.gather [hbm4b:s10+s8], $0x40, s6, s8, $0xb8;
	[tilespmem:$0x8400] =	vst v63  }
0x12: {  	s12 =	simm.s32 $0x2400  }
0x13: {  	[tilespmem:s12], [sflag:$0x1] =	stream.indirect.gather [hbm4b:s7+s8], $0x40, s8, s8, $0xb8;
	[tilespmem:$0x8400] =	vst v63  }
0x14: {  	s13 =	simm.s32 $0x280;
	s14 =	simm.s32 $0x6400;
	s15 =	simm.s32 $0x1  }
0x15: {  	[tilespmem:s14], [sflag:$0x1] =	stream.indirect.gather [hbm4b:s10+s8], $0x40, s13, s8, $0xb8;
	[tilespmem:$0x8400] =	vst v63  }
0x16: {  	_ =	swait.ge [sflag:s15], $0x2000  }
0x17: {  	[sflag:s15] =	ssyncset.done $0x0  }
0x18: {  	[sflag:s15] =	ssyncadd.s32 $0xFFFFE000  }
0x19: {  	s17 =	sshll.u32 s17, $0xD;
	_ =	swait.ge [sflag:s15], $0x2000  }
0x1a: {  	s31 =	sadd.s32 s17, s16;
	[sflag:s15] =	ssyncset.done $0x0  }
0x1b: {  	s17 =	simm.s32 $0x40;
	s16 =	sadd.s32 $0x1A00, s31;
	[sflag:s15] =	ssyncadd.s32 $0xFFFFE000  }
0x1c: {  	[hbm4b:s16+s17] =	stream.strided.scatter [tilespmem:s9], [sflag:$0x2], $0x2000, s8, s17, $0x38;
	[tilespmem:$0x8400] =	vst v63  }
0x1d: {  	s18 =	simm.s32 $0x2;
	s19 =	sadd.s32 $0x1A08, s31  }
0x1e: {  	[hbm4b:s19+s17] =	stream.strided.scatter [tilespmem:s11], [sflag:$0x2], $0x2000, s8, s17, $0x38;
	[tilespmem:$0x8400] =	vst v63  }
0x1f: {  	_ =	swait.ge [sflag:s18], $0x2000  }
0x20: {  	[sflag:s18] =	ssyncset.done $0x0  }
0x21: {  	[sflag:s18] =	ssyncadd.s32 $0xFFFFE000  }
0x22: {  	_ =	swait.ge [sflag:s18], $0x2000  }
0x23: {  	[sflag:s18] =	ssyncset.done $0x0  }
0x24: {  	s20 =	simm.s32 $0x100;
	[sflag:s18] =	ssyncadd.s32 $0xFFFFE000  }
0x25: {  	[tilespmem:s9], [sflag:$0x1] =	stream.indirect.gather [hbm4b:s7+s8], $0x40, s20, s8, $0xb8;
	[tilespmem:$0x8400] =	vst v63  }
0x26: {  	s21 =	simm.s32 $0x300  }
0x27: {  	[tilespmem:s11], [sflag:$0x1] =	stream.indirect.gather [hbm4b:s10+s8], $0x40, s21, s8, $0xb8;
	[tilespmem:$0x8400] =	vst v63  }
0x28: {  	_ =	swait.ge [sflag:s15], $0x2000  }
0x29: {  	[sflag:s15] =	ssyncset.done $0x0  }
0x2a: {  	[sflag:s15] =	ssyncadd.s32 $0xFFFFE000  }
0x2b: {  	_ =	swait.ge [sflag:s15], $0x2000  }
0x2c: {  	[sflag:s15] =	ssyncset.done $0x0  }
0x2d: {  	s22 =	sadd.s32 $0x2200, s31;
	[sflag:s15] =	ssyncadd.s32 $0xFFFFE000  }
0x2e: {  	[hbm4b:s22+s17] =	stream.strided.scatter [tilespmem:s12], [sflag:$0x2], $0x2000, s8, s17, $0x38;
	[tilespmem:$0x8400] =	vst v63  }
0x2f: {  	s23 =	sadd.s32 $0x2208, s31  }
0x30: {  	[hbm4b:s23+s17] =	stream.strided.scatter [tilespmem:s14], [sflag:$0x2], $0x2000, s8, s17, $0x38;
	[tilespmem:$0x8400] =	vst v63  }
0x31: {  	_ =	swait.ge [sflag:s18], $0x2000  }
0x32: {  	[sflag:s18] =	ssyncset.done $0x0  }
0x33: {  	[sflag:s18] =	ssyncadd.s32 $0xFFFFE000  }
0x34: {  	_ =	swait.ge [sflag:s18], $0x2000  }
0x35: {  	[sflag:s18] =	ssyncset.done $0x0  }
0x36: {  	s24 =	simm.s32 $0x180;
	[sflag:s18] =	ssyncadd.s32 $0xFFFFE000  }
0x37: {  	[tilespmem:s12], [sflag:$0x1] =	stream.indirect.gather [hbm4b:s7+s8], $0x40, s24, s8, $0xb8;
	[tilespmem:$0x8400] =	vst v63  }
0x38: {  	s25 =	simm.s32 $0x380  }
0x39: {  	[tilespmem:s14], [sflag:$0x1] =	stream.indirect.gather [hbm4b:s10+s8], $0x40, s25, s8, $0xb8;
	[tilespmem:$0x8400] =	vst v63  }
0x3a: {  	_ =	swait.ge [sflag:s15], $0x2000  }
0x3b: {  	[sflag:s15] =	ssyncset.done $0x0  }
0x3c: {  	[sflag:s15] =	ssyncadd.s32 $0xFFFFE000  }
0x3d: {  	_ =	swait.ge [sflag:s15], $0x2000  }
0x3e: {  	[sflag:s15] =	ssyncset.done $0x0  }
0x3f: {  	s26 =	sadd.s32 $0x2A00, s31;
	[sflag:s15] =	ssyncadd.s32 $0xFFFFE000  }
0x40: {  	[hbm4b:s26+s17] =	stream.strided.scatter [tilespmem:s9], [sflag:$0x2], $0x2000, s8, s17, $0x38;
	[tilespmem:$0x8400] =	vst v63  }
0x41: {  	s28 =	sadd.s32 $0x2A08, s31  }
0x42: {  	[hbm4b:s28+s17] =	stream.strided.scatter [tilespmem:s11], [sflag:$0x2], $0x2000, s8, s17, $0x38;
	[tilespmem:$0x8400] =	vst v63  }
0x43: {  	_ =	swait.ge [sflag:s18], $0x2000  }
0x44: {  	[sflag:s18] =	ssyncset.done $0x0  }
0x45: {  	[sflag:s18] =	ssyncadd.s32 $0xFFFFE000  }
0x46: {  	_ =	swait.ge [sflag:s18], $0x2000  }
0x47: {  	[sflag:s18] =	ssyncset.done $0x0  }
0x48: {  	[sflag:s18] =	ssyncadd.s32 $0xFFFFE000  }
0x49: {  	_ =	swait.ge [sflag:s15], $0x2000  }
0x4a: {  	[sflag:s15] =	ssyncset.done $0x0  }
0x4b: {  	s1 =	ssub.s32 $0x2, s30;
	s29 =	sadd.s32 $0x3200, s31;
	[sflag:s15] =	ssyncadd.s32 $0xFFFFE000  }
0x4c: {  	s30 =	sadd.s32 $0x3208, s31;
	s31 =	sshrl.u32 s1, $0x1;
	_ =	swait.ge [sflag:s15], $0x2000  }
0x4d: {  	s1 =	ssub.s32 s1, s31;
	[sflag:s15] =	ssyncset.done $0x0  }
0x4e: {  	s1 =	smax.u32 s1, $0x1;
	[sflag:s15] =	ssyncadd.s32 $0xFFFFE000  }
0x4f: {  	[hbm4b:s29+s17] =	stream.strided.scatter [tilespmem:s12], [sflag:$0x2], $0x2000, s8, s17, $0x38;
	[tilespmem:$0x8400] =	vst v63  }
0x50: {  	p0 =	sne.s32 s1, $0x1  }
0x51: {  	[hbm4b:s30+s17] =	stream.strided.scatter [tilespmem:s14], [sflag:$0x2], $0x2000, s8, s17, $0x38;
	[tilespmem:$0x8400] =	vst v63  }
.Ltmp0:
0x52: {  	_ =	swait.ge [sflag:s18], $0x2000;
	(pc) =	sbr.rel @!p0 .LBB2_2-.Ltmp0, $4  }
0x53: {  	[sflag:s18] =	ssyncset.done $0x0  }
0x54: {  	[sflag:s18] =	ssyncadd.s32 $0xFFFFE000  }
0x55: {  	_ =	swait.ge [sflag:s18], $0x2000  }
0x56: {  	s31 =	sadd.s32 $0xFFFFFFFF, s1;
	[sflag:s18] =	ssyncset.done $0x0  }
.LBB2_1:
0x57: {  	p0 =	sne.s32 s31, $0x1;
	s31 =	sadd.s32 $0xFFFFFFFF, s31;
	[sflag:s18] =	ssyncadd.s32 $0xFFFFE000  }
0x58: {  	[tilespmem:s2], [sflag:$0x3] =	stream.linear.gather [hbm4b:s3+s2], $0x200, $0x38;
	[tilespmem:$0x8400] =	vst v63  }
0x59: {  	_ =	swait.ge [sflag:s4], $0x200  }
0x5a: {  	[sflag:s4] =	ssyncset.done $0x0  }
0x5b: {  	[sflag:s4] =	ssyncadd.s32 $0xFFFFFE00  }
0x5c: {  	[tilespmem:s6], [sflag:$0x3] =	stream.linear.gather [hbm4b:s5+s2], $0x200, $0x38;
	[tilespmem:$0x8400] =	vst v63  }
0x5d: {  	_ =	swait.ge [sflag:s4], $0x200  }
0x5e: {  	[sflag:s4] =	ssyncset.done $0x0  }
0x5f: {  	[sflag:s4] =	ssyncadd.s32 $0xFFFFFE00  }
0x60: {  	[tilespmem:s9], [sflag:$0x1] =	stream.indirect.gather [hbm4b:s7+s8], $0x40, s2, s8, $0xb8;
	[tilespmem:$0x8400] =	vst v63  }
0x61: {  	_ = 	snop  }
0x62: {  	[tilespmem:s11], [sflag:$0x1] =	stream.indirect.gather [hbm4b:s10+s8], $0x40, s6, s8, $0xb8;
	[tilespmem:$0x8400] =	vst v63  }
0x63: {  	_ = 	snop  }
0x64: {  	[tilespmem:s12], [sflag:$0x1] =	stream.indirect.gather [hbm4b:s7+s8], $0x40, s8, s8, $0xb8;
	[tilespmem:$0x8400] =	vst v63  }
0x65: {  	_ = 	snop  }
0x66: {  	[tilespmem:s14], [sflag:$0x1] =	stream.indirect.gather [hbm4b:s10+s8], $0x40, s13, s8, $0xb8;
	[tilespmem:$0x8400] =	vst v63  }
0x67: {  	_ =	swait.ge [sflag:s15], $0x2000  }
0x68: {  	[sflag:s15] =	ssyncset.done $0x0  }
0x69: {  	[sflag:s15] =	ssyncadd.s32 $0xFFFFE000  }
0x6a: {  	_ =	swait.ge [sflag:s15], $0x2000  }
0x6b: {  	[sflag:s15] =	ssyncset.done $0x0  }
0x6c: {  	[sflag:s15] =	ssyncadd.s32 $0xFFFFE000  }
0x6d: {  	[hbm4b:s16+s17] =	stream.strided.scatter [tilespmem:s9], [sflag:$0x2], $0x2000, s8, s17, $0x38;
	[tilespmem:$0x8400] =	vst v63  }
0x6e: {  	_ = 	snop  }
0x6f: {  	[hbm4b:s19+s17] =	stream.strided.scatter [tilespmem:s11], [sflag:$0x2], $0x2000, s8, s17, $0x38;
	[tilespmem:$0x8400] =	vst v63  }
0x70: {  	_ =	swait.ge [sflag:s18], $0x2000  }
0x71: {  	[sflag:s18] =	ssyncset.done $0x0  }
0x72: {  	[sflag:s18] =	ssyncadd.s32 $0xFFFFE000  }
0x73: {  	_ =	swait.ge [sflag:s18], $0x2000  }
0x74: {  	[sflag:s18] =	ssyncset.done $0x0  }
0x75: {  	[sflag:s18] =	ssyncadd.s32 $0xFFFFE000  }
0x76: {  	[tilespmem:s9], [sflag:$0x1] =	stream.indirect.gather [hbm4b:s7+s8], $0x40, s20, s8, $0xb8;
	[tilespmem:$0x8400] =	vst v63  }
0x77: {  	_ = 	snop  }
0x78: {  	[tilespmem:s11], [sflag:$0x1] =	stream.indirect.gather [hbm4b:s10+s8], $0x40, s21, s8, $0xb8;
	[tilespmem:$0x8400] =	vst v63  }
0x79: {  	_ =	swait.ge [sflag:s15], $0x2000  }
0x7a: {  	[sflag:s15] =	ssyncset.done $0x0  }
0x7b: {  	[sflag:s15] =	ssyncadd.s32 $0xFFFFE000  }
0x7c: {  	_ =	swait.ge [sflag:s15], $0x2000  }
0x7d: {  	[sflag:s15] =	ssyncset.done $0x0  }
0x7e: {  	[sflag:s15] =	ssyncadd.s32 $0xFFFFE000  }
0x7f: {  	[hbm4b:s22+s17] =	stream.strided.scatter [tilespmem:s12], [sflag:$0x2], $0x2000, s8, s17, $0x38;
	[tilespmem:$0x8400] =	vst v63  }
0x80: {  	_ = 	snop  }
0x81: {  	[hbm4b:s23+s17] =	stream.strided.scatter [tilespmem:s14], [sflag:$0x2], $0x2000, s8, s17, $0x38;
	[tilespmem:$0x8400] =	vst v63  }
0x82: {  	_ =	swait.ge [sflag:s18], $0x2000  }
0x83: {  	[sflag:s18] =	ssyncset.done $0x0  }
0x84: {  	[sflag:s18] =	ssyncadd.s32 $0xFFFFE000  }
0x85: {  	_ =	swait.ge [sflag:s18], $0x2000  }
0x86: {  	[sflag:s18] =	ssyncset.done $0x0  }
0x87: {  	[sflag:s18] =	ssyncadd.s32 $0xFFFFE000  }
0x88: {  	[tilespmem:s12], [sflag:$0x1] =	stream.indirect.gather [hbm4b:s7+s8], $0x40, s24, s8, $0xb8;
	[tilespmem:$0x8400] =	vst v63  }
0x89: {  	_ = 	snop  }
0x8a: {  	[tilespmem:s14], [sflag:$0x1] =	stream.indirect.gather [hbm4b:s10+s8], $0x40, s25, s8, $0xb8;
	[tilespmem:$0x8400] =	vst v63  }
0x8b: {  	_ =	swait.ge [sflag:s15], $0x2000  }
0x8c: {  	[sflag:s15] =	ssyncset.done $0x0  }
0x8d: {  	[sflag:s15] =	ssyncadd.s32 $0xFFFFE000  }
0x8e: {  	_ =	swait.ge [sflag:s15], $0x2000  }
0x8f: {  	[sflag:s15] =	ssyncset.done $0x0  }
0x90: {  	[sflag:s15] =	ssyncadd.s32 $0xFFFFE000  }
0x91: {  	[hbm4b:s26+s17] =	stream.strided.scatter [tilespmem:s9], [sflag:$0x2], $0x2000, s8, s17, $0x38;
	[tilespmem:$0x8400] =	vst v63  }
0x92: {  	_ = 	snop  }
0x93: {  	[hbm4b:s28+s17] =	stream.strided.scatter [tilespmem:s11], [sflag:$0x2], $0x2000, s8, s17, $0x38;
	[tilespmem:$0x8400] =	vst v63  }
0x94: {  	_ =	swait.ge [sflag:s18], $0x2000  }
0x95: {  	[sflag:s18] =	ssyncset.done $0x0  }
0x96: {  	[sflag:s18] =	ssyncadd.s32 $0xFFFFE000  }
0x97: {  	_ =	swait.ge [sflag:s18], $0x2000  }
0x98: {  	[sflag:s18] =	ssyncset.done $0x0  }
0x99: {  	[sflag:s18] =	ssyncadd.s32 $0xFFFFE000  }
0x9a: {  	_ =	swait.ge [sflag:s15], $0x2000  }
0x9b: {  	[sflag:s15] =	ssyncset.done $0x0  }
0x9c: {  	[sflag:s15] =	ssyncadd.s32 $0xFFFFE000  }
0x9d: {  	_ =	swait.ge [sflag:s15], $0x2000  }
0x9e: {  	[sflag:s15] =	ssyncset.done $0x0  }
0x9f: {  	[sflag:s15] =	ssyncadd.s32 $0xFFFFE000  }
0xa0: {  	[hbm4b:s29+s17] =	stream.strided.scatter [tilespmem:s12], [sflag:$0x2], $0x2000, s8, s17, $0x38;
	[tilespmem:$0x8400] =	vst v63  }
0xa1: {  	_ = 	snop  }
0xa2: {  	[hbm4b:s30+s17] =	stream.strided.scatter [tilespmem:s14], [sflag:$0x2], $0x2000, s8, s17, $0x38;
	[tilespmem:$0x8400] =	vst v63  }
.Ltmp1:
0xa3: {  	_ =	swait.ge [sflag:s18], $0x2000;
	(pc) =	sbr.rel @p0 .LBB2_1-.Ltmp1, $4  }
0xa4: {  	[sflag:s18] =	ssyncset.done $0x0  }
0xa5: {  	[sflag:s18] =	ssyncadd.s32 $0xFFFFE000  }
0xa6: {  	_ =	swait.ge [sflag:s18], $0x2000  }
0xa7: {  	[sflag:s18] =	ssyncset.done $0x0  }
.LBB2_2:
0xa8: {  	[sflag:s18] =	ssyncadd.s32 $0xFFFFE000  }
0xa9: {  	_ =	sfence.sel $0x180000  }
0xaa: {  	[bflag:$0x0] =	sbarrier.arrive $0xFFFF  }
0xab: {  	_ =	strace $0x90000047  }
0xac: {  	[bflag:$0x2] =	sbarrier.arrive $0xFFFF  }
0xad: {  	p0 =	sne.s32 s0, $0x0;
	s0 =	rddreg [dreg:$0x2]  }
0xae: {  	s0 =	sadd.s32 @!p0 $0x100000, s0  }
0xaf: {  	[sflag:s0] =	ssyncadd.tile.s32 @!p0 $0x1;
	_ =	shalt  }
.Lfunc_end2:
_tile_overlayer_lowered:
.L_overlay_start_2:
0xb0: {  	(tag) =	ssettag $0x2  }
0xb1: {  	s0 =	rddreg [dreg:$0x0];
	s2 =	stileid.u32  }
0xb2: {  	s1 =	rddreg [dreg:$0x1];
	p0 =	sne.s32 s2, $0x0  }
0xb3: {  	s3 =	rddreg [dreg:$0x2];
	[bflag:$0x3] =	sbarrier.arrive $0xFFFF;
	s2 =	simm.s32 @!p0 $0x1C03  }
0xb4: {  	[timem:s3], [sflag:s2] =	dma.local @!p0 [hbm:s0], s1  }
0xb5: {  	s0 =	simm.s32 @!p0 $0x3  }
0xb6: {  	_ =	swait.ge @!p0 [sflag:s0], s1  }
0xb7: {  	s1 =	ssub.s32 @!p0 $0x0, s1;
	[sflag:s0] =	ssyncset.done @!p0 $0x0  }
0xb8: {  	[sflag:s0] =	ssyncadd.s32 @!p0 s1  }
0xb9: {  	[bflag:$0x3] =	sbarrier.arrive $0xFFFF  }
0xba: {  	_ =	shalt  }

</sc_bundles>
